<compile_context>
chip_gen: v7x
topology: tpu7x:2x2x1
jax: 0.10.2.dev20260603
libtpu: 0.0.44.dev20260713+nightly
codegen_flags: <defaults>
</compile_context>

<pallas_src>
import functools

import jax
import jax.numpy as jnp
from jax import lax
from jax.experimental import pallas as pl
from jax.experimental.pallas import tpu as pltpu
from jax.experimental.pallas import tpu_sc as plsc

_NUM_EXPERTS = 16
_TOP_K = 2
_NUM_TOKENS = 16384
_N = _NUM_TOKENS * _TOP_K
_TILES = 16
_PER_TILE = _N // _TILES
_LANES = 16
_STEPS = _PER_TILE // _LANES

_MESH = plsc.VectorSubcoreMesh(
    core_axis_name="c", subcore_axis_name="s", num_cores=1)
_CPARAMS = pltpu.CompilerParams(needs_layout_passes=False)


def _sort_body(ids_hbm, out_idx, out_counts,
               ids_v, lin_v, pos_v, ctab, alltot_v, tot_v, counts_v,
               tiletot_sh, idx_sh, sem):
    wid = lax.axis_index("s")
    base = wid * _PER_TILE
    iota = lax.iota(jnp.int32, _LANES)
    zeros16 = jnp.zeros((_LANES,), jnp.int32)
    ones16 = jnp.ones((_LANES,), jnp.int32)
    lane_row = iota * _NUM_EXPERTS

    pltpu.sync_copy(ids_hbm.at[pl.ds(wid * 8, 8), :, :], ids_v)

    for k in range(_LANES):
        ctab[pl.ds(k * _LANES, _LANES)] = zeros16

    def hist_body(t, carry):
        lidx = iota * _STEPS + t
        il = lidx >> 1
        v = plsc.load_gather(ids_v, [il >> 7, lidx & 1, il & 127])
        plsc.addupdate_scatter(ctab, [lane_row + v], ones16)
        lin_v[pl.ds(t * _LANES, _LANES)] = base + t * _LANES + iota
        return carry

    lax.fori_loop(0, _STEPS, hist_body, 0)

    tot = zeros16
    for k in range(_LANES):
        tot = tot + ctab[pl.ds(k * _LANES, _LANES)]
    tot_v[...] = tot
    pltpu.sync_copy(tot_v, tiletot_sh.at[pl.ds(wid * _LANES, _LANES)])
    plsc.subcore_barrier()
    pltpu.sync_copy(tiletot_sh, alltot_v)

    wid_vec = zeros16 + wid
    acc = zeros16
    my_base = zeros16
    for w in range(_TILES):
        my_base = jnp.where(wid_vec == w, acc, my_base)
        acc = acc + alltot_v[pl.ds(w * _LANES, _LANES)]
    total = acc
    expert_off = plsc.cumsum(total) - total
    cb = expert_off + my_base
    for j in range(_LANES):
        row = ctab[pl.ds(j * _LANES, _LANES)]
        ctab[pl.ds(j * _LANES, _LANES)] = cb
        cb = cb + row

    def rank_body(t, carry):
        lidx = iota * _STEPS + t
        il = lidx >> 1
        v = plsc.load_gather(ids_v, [il >> 7, lidx & 1, il & 127])
        cidx = lane_row + v
        p = plsc.load_gather(ctab, [cidx])
        plsc.addupdate_scatter(ctab, [cidx], ones16)
        plsc.store_scatter(pos_v, [iota, zeros16 + t], p)
        return carry

    lax.fori_loop(0, _STEPS, rank_body, 0)

    copies = []
    for j in range(_LANES):
        copies.append(pltpu.make_async_copy(
            lin_v.at[pl.ds(j * _STEPS, _STEPS)],
            idx_sh.at[pos_v.at[j]], sem))
    for c in copies:
        c.start()
    for c in copies:
        c.wait()
    plsc.subcore_barrier()
    pltpu.sync_copy(idx_sh.at[pl.ds(base, _PER_TILE)],
                    out_idx.at[pl.ds(base, _PER_TILE)])

    @pl.when(wid == 0)
    def _():
        counts_v[...] = total.astype(jnp.float32)
        pltpu.sync_copy(counts_v, out_counts)


@functools.partial(
    pl.kernel,
    out_type=[
        jax.ShapeDtypeStruct((_N,), jnp.int32),
        jax.ShapeDtypeStruct((_NUM_EXPERTS,), jnp.float32),
    ],
    mesh=_MESH,
    compiler_params=_CPARAMS,
    scratch_types=[
        pltpu.VMEM((8, _TOP_K, 128), jnp.int32),
        pltpu.VMEM((_PER_TILE,), jnp.int32),
        pltpu.VMEM((_LANES, _STEPS), jnp.int32),
        pltpu.VMEM((_NUM_EXPERTS * _LANES,), jnp.int32),
        pltpu.VMEM((_TILES * _LANES,), jnp.int32),
        pltpu.VMEM((_LANES,), jnp.int32),
        pltpu.VMEM((_NUM_EXPERTS,), jnp.float32),
        pltpu.VMEM_SHARED((_TILES * _LANES,), jnp.int32),
        pltpu.VMEM_SHARED((_N,), jnp.int32),
        pltpu.SemaphoreType.DMA,
    ],
)
def _sort_ids(ids_hbm, out_idx, out_counts, *scratch):
    _sort_body(ids_hbm, out_idx, out_counts, *scratch)


def _gather_body(scores_hbm, idx_hbm, out_scores, sv, idxv, outv, sem):
    wid = lax.axis_index("s")
    base = wid * _PER_TILE
    pltpu.sync_copy(scores_hbm, sv)
    pltpu.sync_copy(idx_hbm.at[pl.ds(base, _PER_TILE)], idxv)

    def gb(t, carry):
        f = idxv[pl.ds(t * _LANES, _LANES)]
        outv[pl.ds(t * _LANES, _LANES)] = plsc.load_gather(sv, [f])
        return carry

    lax.fori_loop(0, _STEPS, gb, 0)
    pltpu.sync_copy(outv, out_scores.at[pl.ds(base, _PER_TILE)])


@functools.partial(
    pl.kernel,
    out_type=[jax.ShapeDtypeStruct((_N,), jnp.float32)],
    mesh=_MESH,
    compiler_params=_CPARAMS,
    scratch_types=[
        pltpu.VMEM((_N,), jnp.float32),
        pltpu.VMEM((_PER_TILE,), jnp.int32),
        pltpu.VMEM((_PER_TILE,), jnp.float32),
        pltpu.SemaphoreType.DMA,
    ],
)
def _gather_scores(scores_hbm, idx_hbm, out_scores, *scratch):
    _gather_body(scores_hbm, idx_hbm, out_scores, *scratch)


def kernel(top_scores, selected_experts_indices):
    ids3 = selected_experts_indices.reshape(128, 128, _TOP_K).transpose(0, 2, 1)
    scores = top_scores.reshape(-1)
    out_idx, out_counts = _sort_ids(ids3)
    (out_scores,) = _gather_scores(scores, out_idx)
    return out_scores, out_idx, out_counts

# --- scband reference (transcript-rebuilt; emitter-appended) ---
"""Pipeline reference for scband-token-reorderer-30537217475282 (READ-ONLY COPY).

The authoritative reference and input builder live on the scoring server;
editing this copy changes nothing except your own understanding.
"""

import jax, jax.numpy as jnp
import numpy as np

NUM_EXPERTS = 16
TOP_K = 2
NUM_TOKENS = 16384


def setup_inputs(seed: int = 0) -> dict:
    key = jax.random.key(seed)
    k1, k2 = jax.random.split(key)
    top_scores = jax.random.uniform(k1, (NUM_TOKENS, TOP_K), dtype=jnp.float32)
    selected_experts_indices = jax.random.randint(
        k2, (NUM_TOKENS, TOP_K), 0, NUM_EXPERTS, dtype=jnp.int32
    )
    return {
        "top_scores": top_scores,
        "selected_experts_indices": selected_experts_indices,
    }


def reference(top_scores, selected_experts_indices):
    flat_experts = selected_experts_indices.reshape(-1)
    # torch.histc(v, bins=E, min=0, max=E) over integer expert ids == bincount
    num_tokens_per_expert = jnp.bincount(flat_experts, length=NUM_EXPERTS).astype(jnp.float32)
    # stable argsort, matching torch.argsort(..., stable=True)
    token_indices_experts_sorted = jnp.argsort(flat_experts, stable=True)
    top_scores_experts_sorted = top_scores.reshape(-1)[token_indices_experts_sorted]
    return (
        top_scores_experts_sorted,
        token_indices_experts_sorted,
        num_tokens_per_expert,
    )

if __name__ == "__main__":
    import jax
    _d = setup_inputs()
    print(jax.jit(kernel)(*tuple(_d.values())))

</pallas_src>

<mosaic_0001>
#map = affine_map<(d0, d1) -> (0, 0, 0)>
#map1 = affine_map<(d0, d1) -> (0)>
module attributes {stable_mosaic.version = 14 : i64} {
  func.func @_sort_ids(%arg0: i32, %arg1: i32, %arg2: memref<128x2x128xi32, #tpu.memory_space<hbm>>, %arg3: memref<32768xi32, #tpu.memory_space<hbm>>, %arg4: memref<16xf32, #tpu.memory_space<hbm>>, %arg5: memref<8x2x128xi32, #tpu.memory_space<vmem>>, %arg6: memref<2048xi32, #tpu.memory_space<vmem>>, %arg7: memref<16x128xi32, #tpu.memory_space<vmem>>, %arg8: memref<256xi32, #tpu.memory_space<vmem>>, %arg9: memref<256xi32, #tpu.memory_space<vmem>>, %arg10: memref<16xi32, #tpu.memory_space<vmem>>, %arg11: memref<16xf32, #tpu.memory_space<vmem>>, %arg12: memref<256xi32, #tpu.memory_space<vmem_shared>>, %arg13: memref<32768xi32, #tpu.memory_space<vmem_shared>>, %arg14: memref<!tpu.dma_semaphore, #tpu.memory_space<semaphore_mem>>) attributes {dimension_semantics = [#tpu.dimension_semantics<core_parallel>, #tpu.dimension_semantics<subcore_parallel>], iteration_bounds = array<i64: 1, 16>, scalar_prefetch = 0 : i64, scratch_operands = 10 : i64, tpu.core_type = #tpu.core_type<sc_vector_subcore>, window_params = [{transform_indices = #map}, {transform_indices = #map1}, {transform_indices = #map1}]} {
    %mul3A = arith.constant 2048 : i32
    %mul3A_0 = arith.muli %arg1, %mul3A : i32
    %iota3A = tpu.iota {dimensions = array<i32: 0>} : vector<16xi32>
    %broadcast_in_dim3A = arith.constant 0 : i32
    %broadcast_in_dim3A_1 = vector.broadcast %broadcast_in_dim3A : i32 to vector<16xi32>
    %broadcast_in_dim3A_2 = arith.constant 1 : i32
    %broadcast_in_dim3A_3 = vector.broadcast %broadcast_in_dim3A_2 : i32 to vector<16xi32>
    %mul3A_4 = arith.constant 16 : i32
    %mul3A_5 = vector.broadcast %mul3A_4 : i32 to vector<16xi32>
    %mul3A_6 = arith.muli %iota3A, %mul3A_5 : vector<16xi32>
    %mul3A_7 = arith.constant 8 : i32
    %mul3A_8 = arith.muli %arg1, %mul3A_7 : i32
    "tpu.region"() ({
      %run_scoped3A = tpu.sem_alloc : memref<!tpu.dma_semaphore, #tpu.memory_space<semaphore_mem>>
      %dma_start3A_554 = arith.constant 0 : i32
      %dma_start3A_555 = arith.constant 0 : i32
      %dma_start3A_556 = tpu.memref_slice %arg2[%mul3A_8, %dma_start3A_554, %dma_start3A_555] : memref<128x2x128xi32, #tpu.memory_space<hbm>> -> memref<8x2x128xi32, #tpu.memory_space<hbm>>
      %dma_start3A_557 = arith.constant 0 : i32
      %dma_start3A_558 = arith.constant 0 : i32
      %dma_start3A_559 = tpu.memref_slice %arg2[%mul3A_8, %dma_start3A_557, %dma_start3A_558] : memref<128x2x128xi32, #tpu.memory_space<hbm>> -> memref<8x2x128xi32, #tpu.memory_space<hbm>>
      tpu.enqueue_dma source(%dma_start3A_559 : memref<8x2x128xi32, #tpu.memory_space<hbm>>) target(%arg5 : memref<8x2x128xi32, #tpu.memory_space<vmem>>) target_semaphore(%run_scoped3A : memref<!tpu.dma_semaphore, #tpu.memory_space<semaphore_mem>>)
      %dma_wait3A_560 = arith.constant 0 : i32
      %dma_wait3A_561 = arith.constant 0 : i32
      %dma_wait3A_562 = tpu.memref_slice %arg2[%mul3A_8, %dma_wait3A_560, %dma_wait3A_561] : memref<128x2x128xi32, #tpu.memory_space<hbm>> -> memref<8x2x128xi32, #tpu.memory_space<hbm>>
      %dma_wait3A_563 = arith.constant 0 : i32
      %dma_wait3A_564 = arith.constant 0 : i32
      %dma_wait3A_565 = tpu.memref_slice %arg2[%mul3A_8, %dma_wait3A_563, %dma_wait3A_564] : memref<128x2x128xi32, #tpu.memory_space<hbm>> -> memref<8x2x128xi32, #tpu.memory_space<hbm>>
      tpu.wait_dma2 semaphore(%run_scoped3A : memref<!tpu.dma_semaphore, #tpu.memory_space<semaphore_mem>>) src(%dma_wait3A_565 : memref<8x2x128xi32, #tpu.memory_space<hbm>>) dst(%arg5 : memref<8x2x128xi32, #tpu.memory_space<vmem>>)
      tpu.yield
    }) : () -> ()
    %swap3A = arith.constant 0 : index
    %swap3A_9 = tpu.vector_load %arg8[%swap3A] {strides = array<i32>} : memref<256xi32, #tpu.memory_space<vmem>>, vector<16xi32>,
    tpu.vector_store %arg8[%swap3A], %broadcast_in_dim3A_1 {strides = array<i32>} : memref<256xi32, #tpu.memory_space<vmem>>, vector<16xi32>,
    %swap3A_10 = arith.constant 16 : index
    %swap3A_11 = tpu.vector_load %arg8[%swap3A_10] {strides = array<i32>} : memref<256xi32, #tpu.memory_space<vmem>>, vector<16xi32>,
    tpu.vector_store %arg8[%swap3A_10], %broadcast_in_dim3A_1 {strides = array<i32>} : memref<256xi32, #tpu.memory_space<vmem>>, vector<16xi32>,
    %swap3A_12 = arith.constant 32 : index
    %swap3A_13 = tpu.vector_load %arg8[%swap3A_12] {strides = array<i32>} : memref<256xi32, #tpu.memory_space<vmem>>, vector<16xi32>,
    tpu.vector_store %arg8[%swap3A_12], %broadcast_in_dim3A_1 {strides = array<i32>} : memref<256xi32, #tpu.memory_space<vmem>>, vector<16xi32>,
    %swap3A_14 = arith.constant 48 : index
    %swap3A_15 = tpu.vector_load %arg8[%swap3A_14] {strides = array<i32>} : memref<256xi32, #tpu.memory_space<vmem>>, vector<16xi32>,
    tpu.vector_store %arg8[%swap3A_14], %broadcast_in_dim3A_1 {strides = array<i32>} : memref<256xi32, #tpu.memory_space<vmem>>, vector<16xi32>,
    %swap3A_16 = arith.constant 64 : index
    %swap3A_17 = tpu.vector_load %arg8[%swap3A_16] {strides = array<i32>} : memref<256xi32, #tpu.memory_space<vmem>>, vector<16xi32>,
    tpu.vector_store %arg8[%swap3A_16], %broadcast_in_dim3A_1 {strides = array<i32>} : memref<256xi32, #tpu.memory_space<vmem>>, vector<16xi32>,
    %swap3A_18 = arith.constant 80 : index
    %swap3A_19 = tpu.vector_load %arg8[%swap3A_18] {strides = array<i32>} : memref<256xi32, #tpu.memory_space<vmem>>, vector<16xi32>,
    tpu.vector_store %arg8[%swap3A_18], %broadcast_in_dim3A_1 {strides = array<i32>} : memref<256xi32, #tpu.memory_space<vmem>>, vector<16xi32>,
    %swap3A_20 = arith.constant 96 : index
    %swap3A_21 = tpu.vector_load %arg8[%swap3A_20] {strides = array<i32>} : memref<256xi32, #tpu.memory_space<vmem>>, vector<16xi32>,
    tpu.vector_store %arg8[%swap3A_20], %broadcast_in_dim3A_1 {strides = array<i32>} : memref<256xi32, #tpu.memory_space<vmem>>, vector<16xi32>,
    %swap3A_22 = arith.constant 112 : index
    %swap3A_23 = tpu.vector_load %arg8[%swap3A_22] {strides = array<i32>} : memref<256xi32, #tpu.memory_space<vmem>>, vector<16xi32>,
    tpu.vector_store %arg8[%swap3A_22], %broadcast_in_dim3A_1 {strides = array<i32>} : memref<256xi32, #tpu.memory_space<vmem>>, vector<16xi32>,
    %swap3A_24 = arith.constant 128 : index
    %swap3A_25 = tpu.vector_load %arg8[%swap3A_24] {strides = array<i32>} : memref<256xi32, #tpu.memory_space<vmem>>, vector<16xi32>,
    tpu.vector_store %arg8[%swap3A_24], %broadcast_in_dim3A_1 {strides = array<i32>} : memref<256xi32, #tpu.memory_space<vmem>>, vector<16xi32>,
    %swap3A_26 = arith.constant 144 : index
    %swap3A_27 = tpu.vector_load %arg8[%swap3A_26] {strides = array<i32>} : memref<256xi32, #tpu.memory_space<vmem>>, vector<16xi32>,
    tpu.vector_store %arg8[%swap3A_26], %broadcast_in_dim3A_1 {strides = array<i32>} : memref<256xi32, #tpu.memory_space<vmem>>, vector<16xi32>,
    %swap3A_28 = arith.constant 160 : index
    %swap3A_29 = tpu.vector_load %arg8[%swap3A_28] {strides = array<i32>} : memref<256xi32, #tpu.memory_space<vmem>>, vector<16xi32>,
    tpu.vector_store %arg8[%swap3A_28], %broadcast_in_dim3A_1 {strides = array<i32>} : memref<256xi32, #tpu.memory_space<vmem>>, vector<16xi32>,
    %swap3A_30 = arith.constant 176 : index
    %swap3A_31 = tpu.vector_load %arg8[%swap3A_30] {strides = array<i32>} : memref<256xi32, #tpu.memory_space<vmem>>, vector<16xi32>,
    tpu.vector_store %arg8[%swap3A_30], %broadcast_in_dim3A_1 {strides = array<i32>} : memref<256xi32, #tpu.memory_space<vmem>>, vector<16xi32>,
    %swap3A_32 = arith.constant 192 : index
    %swap3A_33 = tpu.vector_load %arg8[%swap3A_32] {strides = array<i32>} : memref<256xi32, #tpu.memory_space<vmem>>, vector<16xi32>,
    tpu.vector_store %arg8[%swap3A_32], %broadcast_in_dim3A_1 {strides = array<i32>} : memref<256xi32, #tpu.memory_space<vmem>>, vector<16xi32>,
    %swap3A_34 = arith.constant 208 : index
    %swap3A_35 = tpu.vector_load %arg8[%swap3A_34] {strides = array<i32>} : memref<256xi32, #tpu.memory_space<vmem>>, vector<16xi32>,
    tpu.vector_store %arg8[%swap3A_34], %broadcast_in_dim3A_1 {strides = array<i32>} : memref<256xi32, #tpu.memory_space<vmem>>, vector<16xi32>,
    %swap3A_36 = arith.constant 224 : index
    %swap3A_37 = tpu.vector_load %arg8[%swap3A_36] {strides = array<i32>} : memref<256xi32, #tpu.memory_space<vmem>>, vector<16xi32>,
    tpu.vector_store %arg8[%swap3A_36], %broadcast_in_dim3A_1 {strides = array<i32>} : memref<256xi32, #tpu.memory_space<vmem>>, vector<16xi32>,
    %swap3A_38 = arith.constant 240 : index
    %swap3A_39 = tpu.vector_load %arg8[%swap3A_38] {strides = array<i32>} : memref<256xi32, #tpu.memory_space<vmem>>, vector<16xi32>,
    tpu.vector_store %arg8[%swap3A_38], %broadcast_in_dim3A_1 {strides = array<i32>} : memref<256xi32, #tpu.memory_space<vmem>>, vector<16xi32>,
    %scan3A = arith.constant 0 : i32
    %scan3A_40 = arith.constant 0 : i32
    %scan3A_41 = arith.constant 128 : i32
    %scan3A_42 = arith.addi %scan3A_40, %scan3A_41 : i32
    %scan3A_43 = arith.constant 1 : i32
    scf.for %scan3A_554 = %scan3A_40 to %scan3A_42 step %scan3A_43  : i32 {
      %mul3A_555 = arith.constant 128 : i32
      %mul3A_556 = vector.broadcast %mul3A_555 : i32 to vector<16xi32>
      %mul3A_557 = arith.muli %iota3A, %mul3A_556 : vector<16xi32>
      %add3A_558 = vector.broadcast %scan3A_554 : i32 to vector<16xi32>
      %add3A_559 = arith.addi %mul3A_557, %add3A_558 : vector<16xi32>
      %shift_right_arithmetic3A = arith.constant 1 : i32
      %shift_right_arithmetic3A_560 = vector.broadcast %shift_right_arithmetic3A : i32 to vector<16xi32>
      %shift_right_arithmetic3A_561 = arith.shrsi %add3A_559, %shift_right_arithmetic3A_560 : vector<16xi32>
      %shift_right_arithmetic3A_562 = arith.constant 7 : i32
      %shift_right_arithmetic3A_563 = vector.broadcast %shift_right_arithmetic3A_562 : i32 to vector<16xi32>
      %shift_right_arithmetic3A_564 = arith.shrsi %shift_right_arithmetic3A_561, %shift_right_arithmetic3A_563 : vector<16xi32>
      %and3A = arith.constant 1 : i32
      %and3A_565 = vector.broadcast %and3A : i32 to vector<16xi32>
      %and3A_566 = arith.andi %add3A_559, %and3A_565 : vector<16xi32>
      %and3A_567 = arith.constant 127 : i32
      %and3A_568 = vector.broadcast %and3A_567 : i32 to vector<16xi32>
      %and3A_569 = arith.andi %shift_right_arithmetic3A_561, %and3A_568 : vector<16xi32>
      %gather3A = tpu.vector_load_idx %arg5[%shift_right_arithmetic3A_564, %and3A_566, %and3A_569] : memref<8x2x128xi32, #tpu.memory_space<vmem>>[vector<16xi32>, vector<16xi32>, vector<16xi32>], vector<16xi32>,
      %add3A_570 = arith.addi %mul3A_6, %gather3A : vector<16xi32>
      tpu.vector_store_idx %arg8[%add3A_570], %broadcast_in_dim3A_3 {add = true} : memref<256xi32, #tpu.memory_space<vmem>>[vector<16xi32>], vector<16xi32>,
      %mul3A_571 = arith.constant 16 : i32
      %mul3A_572 = arith.muli %scan3A_554, %mul3A_571 : i32
      %add3A_573 = arith.addi %mul3A_0, %mul3A_572 : i32
      %add3A_574 = vector.broadcast %add3A_573 : i32 to vector<16xi32>
      %add3A_575 = arith.addi %add3A_574, %iota3A : vector<16xi32>
      %mul3A_576 = arith.constant 16 : i32
      %mul3A_577 = arith.muli %scan3A_554, %mul3A_576 : i32
      %swap3A_578 = arith.index_cast %mul3A_577 : i32 to index
      %swap3A_579 = tpu.vector_load %arg6[%swap3A_578] {strides = array<i32>} : memref<2048xi32, #tpu.memory_space<vmem>>, vector<16xi32>,
      tpu.vector_store %arg6[%swap3A_578], %add3A_575 {strides = array<i32>} : memref<2048xi32, #tpu.memory_space<vmem>>, vector<16xi32>,
    }
    %scan3A_44 = arith.constant 128 : i32
    %get3A = arith.constant 0 : index
    %get3A_45 = tpu.vector_load %arg8[%get3A] {strides = array<i32>} : memref<256xi32, #tpu.memory_space<vmem>>, vector<16xi32>,
    %add3A = arith.addi %broadcast_in_dim3A_1, %get3A_45 : vector<16xi32>
    %get3A_46 = arith.constant 16 : index
    %get3A_47 = tpu.vector_load %arg8[%get3A_46] {strides = array<i32>} : memref<256xi32, #tpu.memory_space<vmem>>, vector<16xi32>,
    %add3A_48 = arith.addi %add3A, %get3A_47 : vector<16xi32>
    %get3A_49 = arith.constant 32 : index
    %get3A_50 = tpu.vector_load %arg8[%get3A_49] {strides = array<i32>} : memref<256xi32, #tpu.memory_space<vmem>>, vector<16xi32>,
    %add3A_51 = arith.addi %add3A_48, %get3A_50 : vector<16xi32>
    %get3A_52 = arith.constant 48 : index
    %get3A_53 = tpu.vector_load %arg8[%get3A_52] {strides = array<i32>} : memref<256xi32, #tpu.memory_space<vmem>>, vector<16xi32>,
    %add3A_54 = arith.addi %add3A_51, %get3A_53 : vector<16xi32>
    %get3A_55 = arith.constant 64 : index
    %get3A_56 = tpu.vector_load %arg8[%get3A_55] {strides = array<i32>} : memref<256xi32, #tpu.memory_space<vmem>>, vector<16xi32>,
    %add3A_57 = arith.addi %add3A_54, %get3A_56 : vector<16xi32>
    %get3A_58 = arith.constant 80 : index
    %get3A_59 = tpu.vector_load %arg8[%get3A_58] {strides = array<i32>} : memref<256xi32, #tpu.memory_space<vmem>>, vector<16xi32>,
    %add3A_60 = arith.addi %add3A_57, %get3A_59 : vector<16xi32>
    %get3A_61 = arith.constant 96 : index
    %get3A_62 = tpu.vector_load %arg8[%get3A_61] {strides = array<i32>} : memref<256xi32, #tpu.memory_space<vmem>>, vector<16xi32>,
    %add3A_63 = arith.addi %add3A_60, %get3A_62 : vector<16xi32>
    %get3A_64 = arith.constant 112 : index
    %get3A_65 = tpu.vector_load %arg8[%get3A_64] {strides = array<i32>} : memref<256xi32, #tpu.memory_space<vmem>>, vector<16xi32>,
    %add3A_66 = arith.addi %add3A_63, %get3A_65 : vector<16xi32>
    %get3A_67 = arith.constant 128 : index
    %get3A_68 = tpu.vector_load %arg8[%get3A_67] {strides = array<i32>} : memref<256xi32, #tpu.memory_space<vmem>>, vector<16xi32>,
    %add3A_69 = arith.addi %add3A_66, %get3A_68 : vector<16xi32>
    %get3A_70 = arith.constant 144 : index
    %get3A_71 = tpu.vector_load %arg8[%get3A_70] {strides = array<i32>} : memref<256xi32, #tpu.memory_space<vmem>>, vector<16xi32>,
    %add3A_72 = arith.addi %add3A_69, %get3A_71 : vector<16xi32>
    %get3A_73 = arith.constant 160 : index
    %get3A_74 = tpu.vector_load %arg8[%get3A_73] {strides = array<i32>} : memref<256xi32, #tpu.memory_space<vmem>>, vector<16xi32>,
    %add3A_75 = arith.addi %add3A_72, %get3A_74 : vector<16xi32>
    %get3A_76 = arith.constant 176 : index
    %get3A_77 = tpu.vector_load %arg8[%get3A_76] {strides = array<i32>} : memref<256xi32, #tpu.memory_space<vmem>>, vector<16xi32>,
    %add3A_78 = arith.addi %add3A_75, %get3A_77 : vector<16xi32>
    %get3A_79 = arith.constant 192 : index
    %get3A_80 = tpu.vector_load %arg8[%get3A_79] {strides = array<i32>} : memref<256xi32, #tpu.memory_space<vmem>>, vector<16xi32>,
    %add3A_81 = arith.addi %add3A_78, %get3A_80 : vector<16xi32>
    %get3A_82 = arith.constant 208 : index
    %get3A_83 = tpu.vector_load %arg8[%get3A_82] {strides = array<i32>} : memref<256xi32, #tpu.memory_space<vmem>>, vector<16xi32>,
    %add3A_84 = arith.addi %add3A_81, %get3A_83 : vector<16xi32>
    %get3A_85 = arith.constant 224 : index
    %get3A_86 = tpu.vector_load %arg8[%get3A_85] {strides = array<i32>} : memref<256xi32, #tpu.memory_space<vmem>>, vector<16xi32>,
    %add3A_87 = arith.addi %add3A_84, %get3A_86 : vector<16xi32>
    %get3A_88 = arith.constant 240 : index
    %get3A_89 = tpu.vector_load %arg8[%get3A_88] {strides = array<i32>} : memref<256xi32, #tpu.memory_space<vmem>>, vector<16xi32>,
    %add3A_90 = arith.addi %add3A_87, %get3A_89 : vector<16xi32>
    %swap3A_91 = arith.constant 0 : index
    %swap3A_92 = tpu.vector_load %arg10[%swap3A_91] {strides = array<i32>} : memref<16xi32, #tpu.memory_space<vmem>>, vector<16xi32>,
    tpu.vector_store %arg10[%swap3A_91], %add3A_90 {strides = array<i32>} : memref<16xi32, #tpu.memory_space<vmem>>, vector<16xi32>,
    %mul3A_93 = arith.constant 16 : i32
    %mul3A_94 = arith.muli %arg1, %mul3A_93 : i32
    "tpu.region"() ({
      %run_scoped3A = tpu.sem_alloc : memref<!tpu.dma_semaphore, #tpu.memory_space<semaphore_mem>>
      %dma_start3A_554 = tpu.memref_slice %arg12[%mul3A_94] : memref<256xi32, #tpu.memory_space<vmem_shared>> -> memref<16xi32, #tpu.memory_space<vmem_shared>>
      %dma_start3A_555 = tpu.memref_slice %arg12[%mul3A_94] : memref<256xi32, #tpu.memory_space<vmem_shared>> -> memref<16xi32, #tpu.memory_space<vmem_shared>>
      tpu.enqueue_dma source(%arg10 : memref<16xi32, #tpu.memory_space<vmem>>) target(%dma_start3A_555 : memref<16xi32, #tpu.memory_space<vmem_shared>>) target_semaphore(%run_scoped3A : memref<!tpu.dma_semaphore, #tpu.memory_space<semaphore_mem>>)
      %dma_wait3A_556 = tpu.memref_slice %arg12[%mul3A_94] : memref<256xi32, #tpu.memory_space<vmem_shared>> -> memref<16xi32, #tpu.memory_space<vmem_shared>>
      %dma_wait3A_557 = tpu.memref_slice %arg12[%mul3A_94] : memref<256xi32, #tpu.memory_space<vmem_shared>> -> memref<16xi32, #tpu.memory_space<vmem_shared>>
      tpu.wait_dma2 semaphore(%run_scoped3A : memref<!tpu.dma_semaphore, #tpu.memory_space<semaphore_mem>>) src(%arg10 : memref<16xi32, #tpu.memory_space<vmem>>) dst(%dma_wait3A_557 : memref<16xi32, #tpu.memory_space<vmem_shared>>)
      tpu.yield
    }) : () -> ()
    %barrier3A = arith.constant 0 : index
    tpu.barrier barrier_id(%barrier3A)
    "tpu.region"() ({
      %run_scoped3A = tpu.sem_alloc : memref<!tpu.dma_semaphore, #tpu.memory_space<semaphore_mem>>
      tpu.enqueue_dma source(%arg12 : memref<256xi32, #tpu.memory_space<vmem_shared>>) target(%arg9 : memref<256xi32, #tpu.memory_space<vmem>>) target_semaphore(%run_scoped3A : memref<!tpu.dma_semaphore, #tpu.memory_space<semaphore_mem>>)
      tpu.wait_dma2 semaphore(%run_scoped3A : memref<!tpu.dma_semaphore, #tpu.memory_space<semaphore_mem>>) src(%arg12 : memref<256xi32, #tpu.memory_space<vmem_shared>>) dst(%arg9 : memref<256xi32, #tpu.memory_space<vmem>>)
      tpu.yield
    }) : () -> ()
    %add3A_95 = vector.broadcast %arg1 : i32 to vector<16xi32>
    %add3A_96 = arith.addi %broadcast_in_dim3A_1, %add3A_95 : vector<16xi32>
    %eq3A = arith.constant 0 : i32
    %eq3A_97 = vector.broadcast %eq3A : i32 to vector<16xi32>
    %eq3A_98 = arith.cmpi eq, %add3A_96, %eq3A_97 : vector<16xi32>
    %select_n3A = arith.select %eq3A_98, %broadcast_in_dim3A_1, %broadcast_in_dim3A_1 : vector<16xi1>, vector<16xi32>
    %get3A_99 = arith.constant 0 : index
    %get3A_100 = tpu.vector_load %arg9[%get3A_99] {strides = array<i32>} : memref<256xi32, #tpu.memory_space<vmem>>, vector<16xi32>,
    %add3A_101 = arith.addi %broadcast_in_dim3A_1, %get3A_100 : vector<16xi32>
    %eq3A_102 = arith.constant 1 : i32
    %eq3A_103 = vector.broadcast %eq3A_102 : i32 to vector<16xi32>
    %eq3A_104 = arith.cmpi eq, %add3A_96, %eq3A_103 : vector<16xi32>
    %select_n3A_105 = arith.select %eq3A_104, %add3A_101, %select_n3A : vector<16xi1>, vector<16xi32>
    %get3A_106 = arith.constant 16 : index
    %get3A_107 = tpu.vector_load %arg9[%get3A_106] {strides = array<i32>} : memref<256xi32, #tpu.memory_space<vmem>>, vector<16xi32>,
    %add3A_108 = arith.addi %add3A_101, %get3A_107 : vector<16xi32>
    %eq3A_109 = arith.constant 2 : i32
    %eq3A_110 = vector.broadcast %eq3A_109 : i32 to vector<16xi32>
    %eq3A_111 = arith.cmpi eq, %add3A_96, %eq3A_110 : vector<16xi32>
    %select_n3A_112 = arith.select %eq3A_111, %add3A_108, %select_n3A_105 : vector<16xi1>, vector<16xi32>
    %get3A_113 = arith.constant 32 : index
    %get3A_114 = tpu.vector_load %arg9[%get3A_113] {strides = array<i32>} : memref<256xi32, #tpu.memory_space<vmem>>, vector<16xi32>,
    %add3A_115 = arith.addi %add3A_108, %get3A_114 : vector<16xi32>
    %eq3A_116 = arith.constant 3 : i32
    %eq3A_117 = vector.broadcast %eq3A_116 : i32 to vector<16xi32>
    %eq3A_118 = arith.cmpi eq, %add3A_96, %eq3A_117 : vector<16xi32>
    %select_n3A_119 = arith.select %eq3A_118, %add3A_115, %select_n3A_112 : vector<16xi1>, vector<16xi32>
    %get3A_120 = arith.constant 48 : index
    %get3A_121 = tpu.vector_load %arg9[%get3A_120] {strides = array<i32>} : memref<256xi32, #tpu.memory_space<vmem>>, vector<16xi32>,
    %add3A_122 = arith.addi %add3A_115, %get3A_121 : vector<16xi32>
    %eq3A_123 = arith.constant 4 : i32
    %eq3A_124 = vector.broadcast %eq3A_123 : i32 to vector<16xi32>
    %eq3A_125 = arith.cmpi eq, %add3A_96, %eq3A_124 : vector<16xi32>
    %select_n3A_126 = arith.select %eq3A_125, %add3A_122, %select_n3A_119 : vector<16xi1>, vector<16xi32>
    %get3A_127 = arith.constant 64 : index
    %get3A_128 = tpu.vector_load %arg9[%get3A_127] {strides = array<i32>} : memref<256xi32, #tpu.memory_space<vmem>>, vector<16xi32>,
    %add3A_129 = arith.addi %add3A_122, %get3A_128 : vector<16xi32>
    %eq3A_130 = arith.constant 5 : i32
    %eq3A_131 = vector.broadcast %eq3A_130 : i32 to vector<16xi32>
    %eq3A_132 = arith.cmpi eq, %add3A_96, %eq3A_131 : vector<16xi32>
    %select_n3A_133 = arith.select %eq3A_132, %add3A_129, %select_n3A_126 : vector<16xi1>, vector<16xi32>
    %get3A_134 = arith.constant 80 : index
    %get3A_135 = tpu.vector_load %arg9[%get3A_134] {strides = array<i32>} : memref<256xi32, #tpu.memory_space<vmem>>, vector<16xi32>,
    %add3A_136 = arith.addi %add3A_129, %get3A_135 : vector<16xi32>
    %eq3A_137 = arith.constant 6 : i32
    %eq3A_138 = vector.broadcast %eq3A_137 : i32 to vector<16xi32>
    %eq3A_139 = arith.cmpi eq, %add3A_96, %eq3A_138 : vector<16xi32>
    %select_n3A_140 = arith.select %eq3A_139, %add3A_136, %select_n3A_133 : vector<16xi1>, vector<16xi32>
    %get3A_141 = arith.constant 96 : index
    %get3A_142 = tpu.vector_load %arg9[%get3A_141] {strides = array<i32>} : memref<256xi32, #tpu.memory_space<vmem>>, vector<16xi32>,
    %add3A_143 = arith.addi %add3A_136, %get3A_142 : vector<16xi32>
    %eq3A_144 = arith.constant 7 : i32
    %eq3A_145 = vector.broadcast %eq3A_144 : i32 to vector<16xi32>
    %eq3A_146 = arith.cmpi eq, %add3A_96, %eq3A_145 : vector<16xi32>
    %select_n3A_147 = arith.select %eq3A_146, %add3A_143, %select_n3A_140 : vector<16xi1>, vector<16xi32>
    %get3A_148 = arith.constant 112 : index
    %get3A_149 = tpu.vector_load %arg9[%get3A_148] {strides = array<i32>} : memref<256xi32, #tpu.memory_space<vmem>>, vector<16xi32>,
    %add3A_150 = arith.addi %add3A_143, %get3A_149 : vector<16xi32>
    %eq3A_151 = arith.constant 8 : i32
    %eq3A_152 = vector.broadcast %eq3A_151 : i32 to vector<16xi32>
    %eq3A_153 = arith.cmpi eq, %add3A_96, %eq3A_152 : vector<16xi32>
    %select_n3A_154 = arith.select %eq3A_153, %add3A_150, %select_n3A_147 : vector<16xi1>, vector<16xi32>
    %get3A_155 = arith.constant 128 : index
    %get3A_156 = tpu.vector_load %arg9[%get3A_155] {strides = array<i32>} : memref<256xi32, #tpu.memory_space<vmem>>, vector<16xi32>,
    %add3A_157 = arith.addi %add3A_150, %get3A_156 : vector<16xi32>
    %eq3A_158 = arith.constant 9 : i32
    %eq3A_159 = vector.broadcast %eq3A_158 : i32 to vector<16xi32>
    %eq3A_160 = arith.cmpi eq, %add3A_96, %eq3A_159 : vector<16xi32>
    %select_n3A_161 = arith.select %eq3A_160, %add3A_157, %select_n3A_154 : vector<16xi1>, vector<16xi32>
    %get3A_162 = arith.constant 144 : index
    %get3A_163 = tpu.vector_load %arg9[%get3A_162] {strides = array<i32>} : memref<256xi32, #tpu.memory_space<vmem>>, vector<16xi32>,
    %add3A_164 = arith.addi %add3A_157, %get3A_163 : vector<16xi32>
    %eq3A_165 = arith.constant 10 : i32
    %eq3A_166 = vector.broadcast %eq3A_165 : i32 to vector<16xi32>
    %eq3A_167 = arith.cmpi eq, %add3A_96, %eq3A_166 : vector<16xi32>
    %select_n3A_168 = arith.select %eq3A_167, %add3A_164, %select_n3A_161 : vector<16xi1>, vector<16xi32>
    %get3A_169 = arith.constant 160 : index
    %get3A_170 = tpu.vector_load %arg9[%get3A_169] {strides = array<i32>} : memref<256xi32, #tpu.memory_space<vmem>>, vector<16xi32>,
    %add3A_171 = arith.addi %add3A_164, %get3A_170 : vector<16xi32>
    %eq3A_172 = arith.constant 11 : i32
    %eq3A_173 = vector.broadcast %eq3A_172 : i32 to vector<16xi32>
    %eq3A_174 = arith.cmpi eq, %add3A_96, %eq3A_173 : vector<16xi32>
    %select_n3A_175 = arith.select %eq3A_174, %add3A_171, %select_n3A_168 : vector<16xi1>, vector<16xi32>
    %get3A_176 = arith.constant 176 : index
    %get3A_177 = tpu.vector_load %arg9[%get3A_176] {strides = array<i32>} : memref<256xi32, #tpu.memory_space<vmem>>, vector<16xi32>,
    %add3A_178 = arith.addi %add3A_171, %get3A_177 : vector<16xi32>
    %eq3A_179 = arith.constant 12 : i32
    %eq3A_180 = vector.broadcast %eq3A_179 : i32 to vector<16xi32>
    %eq3A_181 = arith.cmpi eq, %add3A_96, %eq3A_180 : vector<16xi32>
    %select_n3A_182 = arith.select %eq3A_181, %add3A_178, %select_n3A_175 : vector<16xi1>, vector<16xi32>
    %get3A_183 = arith.constant 192 : index
    %get3A_184 = tpu.vector_load %arg9[%get3A_183] {strides = array<i32>} : memref<256xi32, #tpu.memory_space<vmem>>, vector<16xi32>,
    %add3A_185 = arith.addi %add3A_178, %get3A_184 : vector<16xi32>
    %eq3A_186 = arith.constant 13 : i32
    %eq3A_187 = vector.broadcast %eq3A_186 : i32 to vector<16xi32>
    %eq3A_188 = arith.cmpi eq, %add3A_96, %eq3A_187 : vector<16xi32>
    %select_n3A_189 = arith.select %eq3A_188, %add3A_185, %select_n3A_182 : vector<16xi1>, vector<16xi32>
    %get3A_190 = arith.constant 208 : index
    %get3A_191 = tpu.vector_load %arg9[%get3A_190] {strides = array<i32>} : memref<256xi32, #tpu.memory_space<vmem>>, vector<16xi32>,
    %add3A_192 = arith.addi %add3A_185, %get3A_191 : vector<16xi32>
    %eq3A_193 = arith.constant 14 : i32
    %eq3A_194 = vector.broadcast %eq3A_193 : i32 to vector<16xi32>
    %eq3A_195 = arith.cmpi eq, %add3A_96, %eq3A_194 : vector<16xi32>
    %select_n3A_196 = arith.select %eq3A_195, %add3A_192, %select_n3A_189 : vector<16xi1>, vector<16xi32>
    %get3A_197 = arith.constant 224 : index
    %get3A_198 = tpu.vector_load %arg9[%get3A_197] {strides = array<i32>} : memref<256xi32, #tpu.memory_space<vmem>>, vector<16xi32>,
    %add3A_199 = arith.addi %add3A_192, %get3A_198 : vector<16xi32>
    %eq3A_200 = arith.constant 15 : i32
    %eq3A_201 = vector.broadcast %eq3A_200 : i32 to vector<16xi32>
    %eq3A_202 = arith.cmpi eq, %add3A_96, %eq3A_201 : vector<16xi32>
    %select_n3A_203 = arith.select %eq3A_202, %add3A_199, %select_n3A_196 : vector<16xi1>, vector<16xi32>
    %get3A_204 = arith.constant 240 : index
    %get3A_205 = tpu.vector_load %arg9[%get3A_204] {strides = array<i32>} : memref<256xi32, #tpu.memory_space<vmem>>, vector<16xi32>,
    %add3A_206 = arith.addi %add3A_199, %get3A_205 : vector<16xi32>
    %broadcast_in_dim3A_207 = arith.constant true
    %broadcast_in_dim3A_208 = vector.broadcast %broadcast_in_dim3A_207 : i1 to vector<16xi1>
    %masked_cumsum3A = tpu.scan <sum>, %add3A_206 masked %broadcast_in_dim3A_208 : vector<16xi32>, vector<16xi1> -> vector<16xi32>
    %sub3A = arith.subi %masked_cumsum3A, %add3A_206 : vector<16xi32>
    %add3A_209 = arith.addi %sub3A, %select_n3A_203 : vector<16xi32>
    %get3A_210 = arith.constant 0 : index
    %get3A_211 = tpu.vector_load %arg8[%get3A_210] {strides = array<i32>} : memref<256xi32, #tpu.memory_space<vmem>>, vector<16xi32>,
    %swap3A_212 = arith.constant 0 : index
    %swap3A_213 = tpu.vector_load %arg8[%swap3A_212] {strides = array<i32>} : memref<256xi32, #tpu.memory_space<vmem>>, vector<16xi32>,
    tpu.vector_store %arg8[%swap3A_212], %add3A_209 {strides = array<i32>} : memref<256xi32, #tpu.memory_space<vmem>>, vector<16xi32>,
    %add3A_214 = arith.addi %add3A_209, %get3A_211 : vector<16xi32>
    %get3A_215 = arith.constant 16 : index
    %get3A_216 = tpu.vector_load %arg8[%get3A_215] {strides = array<i32>} : memref<256xi32, #tpu.memory_space<vmem>>, vector<16xi32>,
    %swap3A_217 = arith.constant 16 : index
    %swap3A_218 = tpu.vector_load %arg8[%swap3A_217] {strides = array<i32>} : memref<256xi32, #tpu.memory_space<vmem>>, vector<16xi32>,
    tpu.vector_store %arg8[%swap3A_217], %add3A_214 {strides = array<i32>} : memref<256xi32, #tpu.memory_space<vmem>>, vector<16xi32>,
    %add3A_219 = arith.addi %add3A_214, %get3A_216 : vector<16xi32>
    %get3A_220 = arith.constant 32 : index
    %get3A_221 = tpu.vector_load %arg8[%get3A_220] {strides = array<i32>} : memref<256xi32, #tpu.memory_space<vmem>>, vector<16xi32>,
    %swap3A_222 = arith.constant 32 : index
    %swap3A_223 = tpu.vector_load %arg8[%swap3A_222] {strides = array<i32>} : memref<256xi32, #tpu.memory_space<vmem>>, vector<16xi32>,
    tpu.vector_store %arg8[%swap3A_222], %add3A_219 {strides = array<i32>} : memref<256xi32, #tpu.memory_space<vmem>>, vector<16xi32>,
    %add3A_224 = arith.addi %add3A_219, %get3A_221 : vector<16xi32>
    %get3A_225 = arith.constant 48 : index
    %get3A_226 = tpu.vector_load %arg8[%get3A_225] {strides = array<i32>} : memref<256xi32, #tpu.memory_space<vmem>>, vector<16xi32>,
    %swap3A_227 = arith.constant 48 : index
    %swap3A_228 = tpu.vector_load %arg8[%swap3A_227] {strides = array<i32>} : memref<256xi32, #tpu.memory_space<vmem>>, vector<16xi32>,
    tpu.vector_store %arg8[%swap3A_227], %add3A_224 {strides = array<i32>} : memref<256xi32, #tpu.memory_space<vmem>>, vector<16xi32>,
    %add3A_229 = arith.addi %add3A_224, %get3A_226 : vector<16xi32>
    %get3A_230 = arith.constant 64 : index
    %get3A_231 = tpu.vector_load %arg8[%get3A_230] {strides = array<i32>} : memref<256xi32, #tpu.memory_space<vmem>>, vector<16xi32>,
    %swap3A_232 = arith.constant 64 : index
    %swap3A_233 = tpu.vector_load %arg8[%swap3A_232] {strides = array<i32>} : memref<256xi32, #tpu.memory_space<vmem>>, vector<16xi32>,
    tpu.vector_store %arg8[%swap3A_232], %add3A_229 {strides = array<i32>} : memref<256xi32, #tpu.memory_space<vmem>>, vector<16xi32>,
    %add3A_234 = arith.addi %add3A_229, %get3A_231 : vector<16xi32>
    %get3A_235 = arith.constant 80 : index
    %get3A_236 = tpu.vector_load %arg8[%get3A_235] {strides = array<i32>} : memref<256xi32, #tpu.memory_space<vmem>>, vector<16xi32>,
    %swap3A_237 = arith.constant 80 : index
    %swap3A_238 = tpu.vector_load %arg8[%swap3A_237] {strides = array<i32>} : memref<256xi32, #tpu.memory_space<vmem>>, vector<16xi32>,
    tpu.vector_store %arg8[%swap3A_237], %add3A_234 {strides = array<i32>} : memref<256xi32, #tpu.memory_space<vmem>>, vector<16xi32>,
    %add3A_239 = arith.addi %add3A_234, %get3A_236 : vector<16xi32>
    %get3A_240 = arith.constant 96 : index
    %get3A_241 = tpu.vector_load %arg8[%get3A_240] {strides = array<i32>} : memref<256xi32, #tpu.memory_space<vmem>>, vector<16xi32>,
    %swap3A_242 = arith.constant 96 : index
    %swap3A_243 = tpu.vector_load %arg8[%swap3A_242] {strides = array<i32>} : memref<256xi32, #tpu.memory_space<vmem>>, vector<16xi32>,
    tpu.vector_store %arg8[%swap3A_242], %add3A_239 {strides = array<i32>} : memref<256xi32, #tpu.memory_space<vmem>>, vector<16xi32>,
    %add3A_244 = arith.addi %add3A_239, %get3A_241 : vector<16xi32>
    %get3A_245 = arith.constant 112 : index
    %get3A_246 = tpu.vector_load %arg8[%get3A_245] {strides = array<i32>} : memref<256xi32, #tpu.memory_space<vmem>>, vector<16xi32>,
    %swap3A_247 = arith.constant 112 : index
    %swap3A_248 = tpu.vector_load %arg8[%swap3A_247] {strides = array<i32>} : memref<256xi32, #tpu.memory_space<vmem>>, vector<16xi32>,
    tpu.vector_store %arg8[%swap3A_247], %add3A_244 {strides = array<i32>} : memref<256xi32, #tpu.memory_space<vmem>>, vector<16xi32>,
    %add3A_249 = arith.addi %add3A_244, %get3A_246 : vector<16xi32>
    %get3A_250 = arith.constant 128 : index
    %get3A_251 = tpu.vector_load %arg8[%get3A_250] {strides = array<i32>} : memref<256xi32, #tpu.memory_space<vmem>>, vector<16xi32>,
    %swap3A_252 = arith.constant 128 : index
    %swap3A_253 = tpu.vector_load %arg8[%swap3A_252] {strides = array<i32>} : memref<256xi32, #tpu.memory_space<vmem>>, vector<16xi32>,
    tpu.vector_store %arg8[%swap3A_252], %add3A_249 {strides = array<i32>} : memref<256xi32, #tpu.memory_space<vmem>>, vector<16xi32>,
    %add3A_254 = arith.addi %add3A_249, %get3A_251 : vector<16xi32>
    %get3A_255 = arith.constant 144 : index
    %get3A_256 = tpu.vector_load %arg8[%get3A_255] {strides = array<i32>} : memref<256xi32, #tpu.memory_space<vmem>>, vector<16xi32>,
    %swap3A_257 = arith.constant 144 : index
    %swap3A_258 = tpu.vector_load %arg8[%swap3A_257] {strides = array<i32>} : memref<256xi32, #tpu.memory_space<vmem>>, vector<16xi32>,
    tpu.vector_store %arg8[%swap3A_257], %add3A_254 {strides = array<i32>} : memref<256xi32, #tpu.memory_space<vmem>>, vector<16xi32>,
    %add3A_259 = arith.addi %add3A_254, %get3A_256 : vector<16xi32>
    %get3A_260 = arith.constant 160 : index
    %get3A_261 = tpu.vector_load %arg8[%get3A_260] {strides = array<i32>} : memref<256xi32, #tpu.memory_space<vmem>>, vector<16xi32>,
    %swap3A_262 = arith.constant 160 : index
    %swap3A_263 = tpu.vector_load %arg8[%swap3A_262] {strides = array<i32>} : memref<256xi32, #tpu.memory_space<vmem>>, vector<16xi32>,
    tpu.vector_store %arg8[%swap3A_262], %add3A_259 {strides = array<i32>} : memref<256xi32, #tpu.memory_space<vmem>>, vector<16xi32>,
    %add3A_264 = arith.addi %add3A_259, %get3A_261 : vector<16xi32>
    %get3A_265 = arith.constant 176 : index
    %get3A_266 = tpu.vector_load %arg8[%get3A_265] {strides = array<i32>} : memref<256xi32, #tpu.memory_space<vmem>>, vector<16xi32>,
    %swap3A_267 = arith.constant 176 : index
    %swap3A_268 = tpu.vector_load %arg8[%swap3A_267] {strides = array<i32>} : memref<256xi32, #tpu.memory_space<vmem>>, vector<16xi32>,
    tpu.vector_store %arg8[%swap3A_267], %add3A_264 {strides = array<i32>} : memref<256xi32, #tpu.memory_space<vmem>>, vector<16xi32>,
    %add3A_269 = arith.addi %add3A_264, %get3A_266 : vector<16xi32>
    %get3A_270 = arith.constant 192 : index
    %get3A_271 = tpu.vector_load %arg8[%get3A_270] {strides = array<i32>} : memref<256xi32, #tpu.memory_space<vmem>>, vector<16xi32>,
    %swap3A_272 = arith.constant 192 : index
    %swap3A_273 = tpu.vector_load %arg8[%swap3A_272] {strides = array<i32>} : memref<256xi32, #tpu.memory_space<vmem>>, vector<16xi32>,
    tpu.vector_store %arg8[%swap3A_272], %add3A_269 {strides = array<i32>} : memref<256xi32, #tpu.memory_space<vmem>>, vector<16xi32>,
    %add3A_274 = arith.addi %add3A_269, %get3A_271 : vector<16xi32>
    %get3A_275 = arith.constant 208 : index
    %get3A_276 = tpu.vector_load %arg8[%get3A_275] {strides = array<i32>} : memref<256xi32, #tpu.memory_space<vmem>>, vector<16xi32>,
    %swap3A_277 = arith.constant 208 : index
    %swap3A_278 = tpu.vector_load %arg8[%swap3A_277] {strides = array<i32>} : memref<256xi32, #tpu.memory_space<vmem>>, vector<16xi32>,
    tpu.vector_store %arg8[%swap3A_277], %add3A_274 {strides = array<i32>} : memref<256xi32, #tpu.memory_space<vmem>>, vector<16xi32>,
    %add3A_279 = arith.addi %add3A_274, %get3A_276 : vector<16xi32>
    %get3A_280 = arith.constant 224 : index
    %get3A_281 = tpu.vector_load %arg8[%get3A_280] {strides = array<i32>} : memref<256xi32, #tpu.memory_space<vmem>>, vector<16xi32>,
    %swap3A_282 = arith.constant 224 : index
    %swap3A_283 = tpu.vector_load %arg8[%swap3A_282] {strides = array<i32>} : memref<256xi32, #tpu.memory_space<vmem>>, vector<16xi32>,
    tpu.vector_store %arg8[%swap3A_282], %add3A_279 {strides = array<i32>} : memref<256xi32, #tpu.memory_space<vmem>>, vector<16xi32>,
    %add3A_284 = arith.addi %add3A_279, %get3A_281 : vector<16xi32>
    %get3A_285 = arith.constant 240 : index
    %get3A_286 = tpu.vector_load %arg8[%get3A_285] {strides = array<i32>} : memref<256xi32, #tpu.memory_space<vmem>>, vector<16xi32>,
    %swap3A_287 = arith.constant 240 : index
    %swap3A_288 = tpu.vector_load %arg8[%swap3A_287] {strides = array<i32>} : memref<256xi32, #tpu.memory_space<vmem>>, vector<16xi32>,
    tpu.vector_store %arg8[%swap3A_287], %add3A_284 {strides = array<i32>} : memref<256xi32, #tpu.memory_space<vmem>>, vector<16xi32>,
    %add3A_289 = arith.addi %add3A_284, %get3A_286 : vector<16xi32>
    %scan3A_290 = arith.constant 0 : i32
    %scan3A_291 = arith.constant 0 : i32
    %scan3A_292 = arith.constant 128 : i32
    %scan3A_293 = arith.addi %scan3A_291, %scan3A_292 : i32
    %scan3A_294 = arith.constant 1 : i32
    scf.for %scan3A_554 = %scan3A_291 to %scan3A_293 step %scan3A_294  : i32 {
      %mul3A_555 = arith.constant 128 : i32
      %mul3A_556 = vector.broadcast %mul3A_555 : i32 to vector<16xi32>
      %mul3A_557 = arith.muli %iota3A, %mul3A_556 : vector<16xi32>
      %add3A_558 = vector.broadcast %scan3A_554 : i32 to vector<16xi32>
      %add3A_559 = arith.addi %mul3A_557, %add3A_558 : vector<16xi32>
      %shift_right_arithmetic3A = arith.constant 1 : i32
      %shift_right_arithmetic3A_560 = vector.broadcast %shift_right_arithmetic3A : i32 to vector<16xi32>
      %shift_right_arithmetic3A_561 = arith.shrsi %add3A_559, %shift_right_arithmetic3A_560 : vector<16xi32>
      %shift_right_arithmetic3A_562 = arith.constant 7 : i32
      %shift_right_arithmetic3A_563 = vector.broadcast %shift_right_arithmetic3A_562 : i32 to vector<16xi32>
      %shift_right_arithmetic3A_564 = arith.shrsi %shift_right_arithmetic3A_561, %shift_right_arithmetic3A_563 : vector<16xi32>
      %and3A = arith.constant 1 : i32
      %and3A_565 = vector.broadcast %and3A : i32 to vector<16xi32>
      %and3A_566 = arith.andi %add3A_559, %and3A_565 : vector<16xi32>
      %and3A_567 = arith.constant 127 : i32
      %and3A_568 = vector.broadcast %and3A_567 : i32 to vector<16xi32>
      %and3A_569 = arith.andi %shift_right_arithmetic3A_561, %and3A_568 : vector<16xi32>
      %gather3A = tpu.vector_load_idx %arg5[%shift_right_arithmetic3A_564, %and3A_566, %and3A_569] : memref<8x2x128xi32, #tpu.memory_space<vmem>>[vector<16xi32>, vector<16xi32>, vector<16xi32>], vector<16xi32>,
      %add3A_570 = arith.addi %mul3A_6, %gather3A : vector<16xi32>
      %gather3A_571 = tpu.vector_load_idx %arg8[%add3A_570] : memref<256xi32, #tpu.memory_space<vmem>>[vector<16xi32>], vector<16xi32>,
      tpu.vector_store_idx %arg8[%add3A_570], %broadcast_in_dim3A_3 {add = true} : memref<256xi32, #tpu.memory_space<vmem>>[vector<16xi32>], vector<16xi32>,
      %add3A_572 = vector.broadcast %scan3A_554 : i32 to vector<16xi32>
      %add3A_573 = arith.addi %broadcast_in_dim3A_1, %add3A_572 : vector<16xi32>
      tpu.vector_store_idx %arg7[%iota3A, %add3A_573], %gather3A_571 : memref<16x128xi32, #tpu.memory_space<vmem>>[vector<16xi32>, vector<16xi32>], vector<16xi32>,
    }
    %scan3A_295 = arith.constant 128 : i32
    %dma_start3A = arith.constant 0 : i32
    %dma_start3A_296 = arith.constant 0 : i32
    %dma_start3A_297 = tpu.memref_slice %arg6[%dma_start3A_296] : memref<2048xi32, #tpu.memory_space<vmem>> -> memref<128xi32, #tpu.memory_space<vmem>>
    %dma_start3A_298 = arith.constant 0 : i32
    %dma_start3A_299 = tpu.memref_slice %arg7[%dma_start3A, %dma_start3A_298] : memref<16x128xi32, #tpu.memory_space<vmem>> -> memref<1x128xi32, #tpu.memory_space<vmem>>
    %dma_start3A_300 = tpu.memref_squeeze %dma_start3A_299 : memref<1x128xi32, #tpu.memory_space<vmem>> -> memref<128xi32, #tpu.memory_space<vmem>>
    %dma_start3A_301 = arith.constant 0 : i32
    %dma_start3A_302 = tpu.memref_slice %arg13[%dma_start3A_301] : memref<32768xi32, #tpu.memory_space<vmem_shared>> -> memref<32768xi32, #tpu.memory_space<vmem_shared>>
    tpu.enqueue_indirect_dma source(%dma_start3A_297 : memref<128xi32, #tpu.memory_space<vmem>>) target(%dma_start3A_302 : memref<32768xi32, #tpu.memory_space<vmem_shared>>) offsets(%dma_start3A_300 : memref<128xi32, #tpu.memory_space<vmem>>) semaphore(%arg14 : memref<!tpu.dma_semaphore, #tpu.memory_space<semaphore_mem>>)
    %dma_start3A_303 = arith.constant 1 : i32
    %dma_start3A_304 = arith.constant 128 : i32
    %dma_start3A_305 = tpu.memref_slice %arg6[%dma_start3A_304] : memref<2048xi32, #tpu.memory_space<vmem>> -> memref<128xi32, #tpu.memory_space<vmem>>
    %dma_start3A_306 = arith.constant 0 : i32
    %dma_start3A_307 = tpu.memref_slice %arg7[%dma_start3A_303, %dma_start3A_306] : memref<16x128xi32, #tpu.memory_space<vmem>> -> memref<1x128xi32, #tpu.memory_space<vmem>>
    %dma_start3A_308 = tpu.memref_squeeze %dma_start3A_307 : memref<1x128xi32, #tpu.memory_space<vmem>> -> memref<128xi32, #tpu.memory_space<vmem>>
    %dma_start3A_309 = arith.constant 0 : i32
    %dma_start3A_310 = tpu.memref_slice %arg13[%dma_start3A_309] : memref<32768xi32, #tpu.memory_space<vmem_shared>> -> memref<32768xi32, #tpu.memory_space<vmem_shared>>
    tpu.enqueue_indirect_dma source(%dma_start3A_305 : memref<128xi32, #tpu.memory_space<vmem>>) target(%dma_start3A_310 : memref<32768xi32, #tpu.memory_space<vmem_shared>>) offsets(%dma_start3A_308 : memref<128xi32, #tpu.memory_space<vmem>>) semaphore(%arg14 : memref<!tpu.dma_semaphore, #tpu.memory_space<semaphore_mem>>)
    %dma_start3A_311 = arith.constant 2 : i32
    %dma_start3A_312 = arith.constant 256 : i32
    %dma_start3A_313 = tpu.memref_slice %arg6[%dma_start3A_312] : memref<2048xi32, #tpu.memory_space<vmem>> -> memref<128xi32, #tpu.memory_space<vmem>>
    %dma_start3A_314 = arith.constant 0 : i32
    %dma_start3A_315 = tpu.memref_slice %arg7[%dma_start3A_311, %dma_start3A_314] : memref<16x128xi32, #tpu.memory_space<vmem>> -> memref<1x128xi32, #tpu.memory_space<vmem>>
    %dma_start3A_316 = tpu.memref_squeeze %dma_start3A_315 : memref<1x128xi32, #tpu.memory_space<vmem>> -> memref<128xi32, #tpu.memory_space<vmem>>
    %dma_start3A_317 = arith.constant 0 : i32
    %dma_start3A_318 = tpu.memref_slice %arg13[%dma_start3A_317] : memref<32768xi32, #tpu.memory_space<vmem_shared>> -> memref<32768xi32, #tpu.memory_space<vmem_shared>>
    tpu.enqueue_indirect_dma source(%dma_start3A_313 : memref<128xi32, #tpu.memory_space<vmem>>) target(%dma_start3A_318 : memref<32768xi32, #tpu.memory_space<vmem_shared>>) offsets(%dma_start3A_316 : memref<128xi32, #tpu.memory_space<vmem>>) semaphore(%arg14 : memref<!tpu.dma_semaphore, #tpu.memory_space<semaphore_mem>>)
    %dma_start3A_319 = arith.constant 3 : i32
    %dma_start3A_320 = arith.constant 384 : i32
    %dma_start3A_321 = tpu.memref_slice %arg6[%dma_start3A_320] : memref<2048xi32, #tpu.memory_space<vmem>> -> memref<128xi32, #tpu.memory_space<vmem>>
    %dma_start3A_322 = arith.constant 0 : i32
    %dma_start3A_323 = tpu.memref_slice %arg7[%dma_start3A_319, %dma_start3A_322] : memref<16x128xi32, #tpu.memory_space<vmem>> -> memref<1x128xi32, #tpu.memory_space<vmem>>
    %dma_start3A_324 = tpu.memref_squeeze %dma_start3A_323 : memref<1x128xi32, #tpu.memory_space<vmem>> -> memref<128xi32, #tpu.memory_space<vmem>>
    %dma_start3A_325 = arith.constant 0 : i32
    %dma_start3A_326 = tpu.memref_slice %arg13[%dma_start3A_325] : memref<32768xi32, #tpu.memory_space<vmem_shared>> -> memref<32768xi32, #tpu.memory_space<vmem_shared>>
    tpu.enqueue_indirect_dma source(%dma_start3A_321 : memref<128xi32, #tpu.memory_space<vmem>>) target(%dma_start3A_326 : memref<32768xi32, #tpu.memory_space<vmem_shared>>) offsets(%dma_start3A_324 : memref<128xi32, #tpu.memory_space<vmem>>) semaphore(%arg14 : memref<!tpu.dma_semaphore, #tpu.memory_space<semaphore_mem>>)
    %dma_start3A_327 = arith.constant 4 : i32
    %dma_start3A_328 = arith.constant 512 : i32
    %dma_start3A_329 = tpu.memref_slice %arg6[%dma_start3A_328] : memref<2048xi32, #tpu.memory_space<vmem>> -> memref<128xi32, #tpu.memory_space<vmem>>
    %dma_start3A_330 = arith.constant 0 : i32
    %dma_start3A_331 = tpu.memref_slice %arg7[%dma_start3A_327, %dma_start3A_330] : memref<16x128xi32, #tpu.memory_space<vmem>> -> memref<1x128xi32, #tpu.memory_space<vmem>>
    %dma_start3A_332 = tpu.memref_squeeze %dma_start3A_331 : memref<1x128xi32, #tpu.memory_space<vmem>> -> memref<128xi32, #tpu.memory_space<vmem>>
    %dma_start3A_333 = arith.constant 0 : i32
    %dma_start3A_334 = tpu.memref_slice %arg13[%dma_start3A_333] : memref<32768xi32, #tpu.memory_space<vmem_shared>> -> memref<32768xi32, #tpu.memory_space<vmem_shared>>
    tpu.enqueue_indirect_dma source(%dma_start3A_329 : memref<128xi32, #tpu.memory_space<vmem>>) target(%dma_start3A_334 : memref<32768xi32, #tpu.memory_space<vmem_shared>>) offsets(%dma_start3A_332 : memref<128xi32, #tpu.memory_space<vmem>>) semaphore(%arg14 : memref<!tpu.dma_semaphore, #tpu.memory_space<semaphore_mem>>)
    %dma_start3A_335 = arith.constant 5 : i32
    %dma_start3A_336 = arith.constant 640 : i32
    %dma_start3A_337 = tpu.memref_slice %arg6[%dma_start3A_336] : memref<2048xi32, #tpu.memory_space<vmem>> -> memref<128xi32, #tpu.memory_space<vmem>>
    %dma_start3A_338 = arith.constant 0 : i32
    %dma_start3A_339 = tpu.memref_slice %arg7[%dma_start3A_335, %dma_start3A_338] : memref<16x128xi32, #tpu.memory_space<vmem>> -> memref<1x128xi32, #tpu.memory_space<vmem>>
    %dma_start3A_340 = tpu.memref_squeeze %dma_start3A_339 : memref<1x128xi32, #tpu.memory_space<vmem>> -> memref<128xi32, #tpu.memory_space<vmem>>
    %dma_start3A_341 = arith.constant 0 : i32
    %dma_start3A_342 = tpu.memref_slice %arg13[%dma_start3A_341] : memref<32768xi32, #tpu.memory_space<vmem_shared>> -> memref<32768xi32, #tpu.memory_space<vmem_shared>>
    tpu.enqueue_indirect_dma source(%dma_start3A_337 : memref<128xi32, #tpu.memory_space<vmem>>) target(%dma_start3A_342 : memref<32768xi32, #tpu.memory_space<vmem_shared>>) offsets(%dma_start3A_340 : memref<128xi32, #tpu.memory_space<vmem>>) semaphore(%arg14 : memref<!tpu.dma_semaphore, #tpu.memory_space<semaphore_mem>>)
    %dma_start3A_343 = arith.constant 6 : i32
    %dma_start3A_344 = arith.constant 768 : i32
    %dma_start3A_345 = tpu.memref_slice %arg6[%dma_start3A_344] : memref<2048xi32, #tpu.memory_space<vmem>> -> memref<128xi32, #tpu.memory_space<vmem>>
    %dma_start3A_346 = arith.constant 0 : i32
    %dma_start3A_347 = tpu.memref_slice %arg7[%dma_start3A_343, %dma_start3A_346] : memref<16x128xi32, #tpu.memory_space<vmem>> -> memref<1x128xi32, #tpu.memory_space<vmem>>
    %dma_start3A_348 = tpu.memref_squeeze %dma_start3A_347 : memref<1x128xi32, #tpu.memory_space<vmem>> -> memref<128xi32, #tpu.memory_space<vmem>>
    %dma_start3A_349 = arith.constant 0 : i32
    %dma_start3A_350 = tpu.memref_slice %arg13[%dma_start3A_349] : memref<32768xi32, #tpu.memory_space<vmem_shared>> -> memref<32768xi32, #tpu.memory_space<vmem_shared>>
    tpu.enqueue_indirect_dma source(%dma_start3A_345 : memref<128xi32, #tpu.memory_space<vmem>>) target(%dma_start3A_350 : memref<32768xi32, #tpu.memory_space<vmem_shared>>) offsets(%dma_start3A_348 : memref<128xi32, #tpu.memory_space<vmem>>) semaphore(%arg14 : memref<!tpu.dma_semaphore, #tpu.memory_space<semaphore_mem>>)
    %dma_start3A_351 = arith.constant 7 : i32
    %dma_start3A_352 = arith.constant 896 : i32
    %dma_start3A_353 = tpu.memref_slice %arg6[%dma_start3A_352] : memref<2048xi32, #tpu.memory_space<vmem>> -> memref<128xi32, #tpu.memory_space<vmem>>
    %dma_start3A_354 = arith.constant 0 : i32
    %dma_start3A_355 = tpu.memref_slice %arg7[%dma_start3A_351, %dma_start3A_354] : memref<16x128xi32, #tpu.memory_space<vmem>> -> memref<1x128xi32, #tpu.memory_space<vmem>>
    %dma_start3A_356 = tpu.memref_squeeze %dma_start3A_355 : memref<1x128xi32, #tpu.memory_space<vmem>> -> memref<128xi32, #tpu.memory_space<vmem>>
    %dma_start3A_357 = arith.constant 0 : i32
    %dma_start3A_358 = tpu.memref_slice %arg13[%dma_start3A_357] : memref<32768xi32, #tpu.memory_space<vmem_shared>> -> memref<32768xi32, #tpu.memory_space<vmem_shared>>
    tpu.enqueue_indirect_dma source(%dma_start3A_353 : memref<128xi32, #tpu.memory_space<vmem>>) target(%dma_start3A_358 : memref<32768xi32, #tpu.memory_space<vmem_shared>>) offsets(%dma_start3A_356 : memref<128xi32, #tpu.memory_space<vmem>>) semaphore(%arg14 : memref<!tpu.dma_semaphore, #tpu.memory_space<semaphore_mem>>)
    %dma_start3A_359 = arith.constant 8 : i32
    %dma_start3A_360 = arith.constant 1024 : i32
    %dma_start3A_361 = tpu.memref_slice %arg6[%dma_start3A_360] : memref<2048xi32, #tpu.memory_space<vmem>> -> memref<128xi32, #tpu.memory_space<vmem>>
    %dma_start3A_362 = arith.constant 0 : i32
    %dma_start3A_363 = tpu.memref_slice %arg7[%dma_start3A_359, %dma_start3A_362] : memref<16x128xi32, #tpu.memory_space<vmem>> -> memref<1x128xi32, #tpu.memory_space<vmem>>
    %dma_start3A_364 = tpu.memref_squeeze %dma_start3A_363 : memref<1x128xi32, #tpu.memory_space<vmem>> -> memref<128xi32, #tpu.memory_space<vmem>>
    %dma_start3A_365 = arith.constant 0 : i32
    %dma_start3A_366 = tpu.memref_slice %arg13[%dma_start3A_365] : memref<32768xi32, #tpu.memory_space<vmem_shared>> -> memref<32768xi32, #tpu.memory_space<vmem_shared>>
    tpu.enqueue_indirect_dma source(%dma_start3A_361 : memref<128xi32, #tpu.memory_space<vmem>>) target(%dma_start3A_366 : memref<32768xi32, #tpu.memory_space<vmem_shared>>) offsets(%dma_start3A_364 : memref<128xi32, #tpu.memory_space<vmem>>) semaphore(%arg14 : memref<!tpu.dma_semaphore, #tpu.memory_space<semaphore_mem>>)
    %dma_start3A_367 = arith.constant 9 : i32
    %dma_start3A_368 = arith.constant 1152 : i32
    %dma_start3A_369 = tpu.memref_slice %arg6[%dma_start3A_368] : memref<2048xi32, #tpu.memory_space<vmem>> -> memref<128xi32, #tpu.memory_space<vmem>>
    %dma_start3A_370 = arith.constant 0 : i32
    %dma_start3A_371 = tpu.memref_slice %arg7[%dma_start3A_367, %dma_start3A_370] : memref<16x128xi32, #tpu.memory_space<vmem>> -> memref<1x128xi32, #tpu.memory_space<vmem>>
    %dma_start3A_372 = tpu.memref_squeeze %dma_start3A_371 : memref<1x128xi32, #tpu.memory_space<vmem>> -> memref<128xi32, #tpu.memory_space<vmem>>
    %dma_start3A_373 = arith.constant 0 : i32
    %dma_start3A_374 = tpu.memref_slice %arg13[%dma_start3A_373] : memref<32768xi32, #tpu.memory_space<vmem_shared>> -> memref<32768xi32, #tpu.memory_space<vmem_shared>>
    tpu.enqueue_indirect_dma source(%dma_start3A_369 : memref<128xi32, #tpu.memory_space<vmem>>) target(%dma_start3A_374 : memref<32768xi32, #tpu.memory_space<vmem_shared>>) offsets(%dma_start3A_372 : memref<128xi32, #tpu.memory_space<vmem>>) semaphore(%arg14 : memref<!tpu.dma_semaphore, #tpu.memory_space<semaphore_mem>>)
    %dma_start3A_375 = arith.constant 10 : i32
    %dma_start3A_376 = arith.constant 1280 : i32
    %dma_start3A_377 = tpu.memref_slice %arg6[%dma_start3A_376] : memref<2048xi32, #tpu.memory_space<vmem>> -> memref<128xi32, #tpu.memory_space<vmem>>
    %dma_start3A_378 = arith.constant 0 : i32
    %dma_start3A_379 = tpu.memref_slice %arg7[%dma_start3A_375, %dma_start3A_378] : memref<16x128xi32, #tpu.memory_space<vmem>> -> memref<1x128xi32, #tpu.memory_space<vmem>>
    %dma_start3A_380 = tpu.memref_squeeze %dma_start3A_379 : memref<1x128xi32, #tpu.memory_space<vmem>> -> memref<128xi32, #tpu.memory_space<vmem>>
    %dma_start3A_381 = arith.constant 0 : i32
    %dma_start3A_382 = tpu.memref_slice %arg13[%dma_start3A_381] : memref<32768xi32, #tpu.memory_space<vmem_shared>> -> memref<32768xi32, #tpu.memory_space<vmem_shared>>
    tpu.enqueue_indirect_dma source(%dma_start3A_377 : memref<128xi32, #tpu.memory_space<vmem>>) target(%dma_start3A_382 : memref<32768xi32, #tpu.memory_space<vmem_shared>>) offsets(%dma_start3A_380 : memref<128xi32, #tpu.memory_space<vmem>>) semaphore(%arg14 : memref<!tpu.dma_semaphore, #tpu.memory_space<semaphore_mem>>)
    %dma_start3A_383 = arith.constant 11 : i32
    %dma_start3A_384 = arith.constant 1408 : i32
    %dma_start3A_385 = tpu.memref_slice %arg6[%dma_start3A_384] : memref<2048xi32, #tpu.memory_space<vmem>> -> memref<128xi32, #tpu.memory_space<vmem>>
    %dma_start3A_386 = arith.constant 0 : i32
    %dma_start3A_387 = tpu.memref_slice %arg7[%dma_start3A_383, %dma_start3A_386] : memref<16x128xi32, #tpu.memory_space<vmem>> -> memref<1x128xi32, #tpu.memory_space<vmem>>
    %dma_start3A_388 = tpu.memref_squeeze %dma_start3A_387 : memref<1x128xi32, #tpu.memory_space<vmem>> -> memref<128xi32, #tpu.memory_space<vmem>>
    %dma_start3A_389 = arith.constant 0 : i32
    %dma_start3A_390 = tpu.memref_slice %arg13[%dma_start3A_389] : memref<32768xi32, #tpu.memory_space<vmem_shared>> -> memref<32768xi32, #tpu.memory_space<vmem_shared>>
    tpu.enqueue_indirect_dma source(%dma_start3A_385 : memref<128xi32, #tpu.memory_space<vmem>>) target(%dma_start3A_390 : memref<32768xi32, #tpu.memory_space<vmem_shared>>) offsets(%dma_start3A_388 : memref<128xi32, #tpu.memory_space<vmem>>) semaphore(%arg14 : memref<!tpu.dma_semaphore, #tpu.memory_space<semaphore_mem>>)
    %dma_start3A_391 = arith.constant 12 : i32
    %dma_start3A_392 = arith.constant 1536 : i32
    %dma_start3A_393 = tpu.memref_slice %arg6[%dma_start3A_392] : memref<2048xi32, #tpu.memory_space<vmem>> -> memref<128xi32, #tpu.memory_space<vmem>>
    %dma_start3A_394 = arith.constant 0 : i32
    %dma_start3A_395 = tpu.memref_slice %arg7[%dma_start3A_391, %dma_start3A_394] : memref<16x128xi32, #tpu.memory_space<vmem>> -> memref<1x128xi32, #tpu.memory_space<vmem>>
    %dma_start3A_396 = tpu.memref_squeeze %dma_start3A_395 : memref<1x128xi32, #tpu.memory_space<vmem>> -> memref<128xi32, #tpu.memory_space<vmem>>
    %dma_start3A_397 = arith.constant 0 : i32
    %dma_start3A_398 = tpu.memref_slice %arg13[%dma_start3A_397] : memref<32768xi32, #tpu.memory_space<vmem_shared>> -> memref<32768xi32, #tpu.memory_space<vmem_shared>>
    tpu.enqueue_indirect_dma source(%dma_start3A_393 : memref<128xi32, #tpu.memory_space<vmem>>) target(%dma_start3A_398 : memref<32768xi32, #tpu.memory_space<vmem_shared>>) offsets(%dma_start3A_396 : memref<128xi32, #tpu.memory_space<vmem>>) semaphore(%arg14 : memref<!tpu.dma_semaphore, #tpu.memory_space<semaphore_mem>>)
    %dma_start3A_399 = arith.constant 13 : i32
    %dma_start3A_400 = arith.constant 1664 : i32
    %dma_start3A_401 = tpu.memref_slice %arg6[%dma_start3A_400] : memref<2048xi32, #tpu.memory_space<vmem>> -> memref<128xi32, #tpu.memory_space<vmem>>
    %dma_start3A_402 = arith.constant 0 : i32
    %dma_start3A_403 = tpu.memref_slice %arg7[%dma_start3A_399, %dma_start3A_402] : memref<16x128xi32, #tpu.memory_space<vmem>> -> memref<1x128xi32, #tpu.memory_space<vmem>>
    %dma_start3A_404 = tpu.memref_squeeze %dma_start3A_403 : memref<1x128xi32, #tpu.memory_space<vmem>> -> memref<128xi32, #tpu.memory_space<vmem>>
    %dma_start3A_405 = arith.constant 0 : i32
    %dma_start3A_406 = tpu.memref_slice %arg13[%dma_start3A_405] : memref<32768xi32, #tpu.memory_space<vmem_shared>> -> memref<32768xi32, #tpu.memory_space<vmem_shared>>
    tpu.enqueue_indirect_dma source(%dma_start3A_401 : memref<128xi32, #tpu.memory_space<vmem>>) target(%dma_start3A_406 : memref<32768xi32, #tpu.memory_space<vmem_shared>>) offsets(%dma_start3A_404 : memref<128xi32, #tpu.memory_space<vmem>>) semaphore(%arg14 : memref<!tpu.dma_semaphore, #tpu.memory_space<semaphore_mem>>)
    %dma_start3A_407 = arith.constant 14 : i32
    %dma_start3A_408 = arith.constant 1792 : i32
    %dma_start3A_409 = tpu.memref_slice %arg6[%dma_start3A_408] : memref<2048xi32, #tpu.memory_space<vmem>> -> memref<128xi32, #tpu.memory_space<vmem>>
    %dma_start3A_410 = arith.constant 0 : i32
    %dma_start3A_411 = tpu.memref_slice %arg7[%dma_start3A_407, %dma_start3A_410] : memref<16x128xi32, #tpu.memory_space<vmem>> -> memref<1x128xi32, #tpu.memory_space<vmem>>
    %dma_start3A_412 = tpu.memref_squeeze %dma_start3A_411 : memref<1x128xi32, #tpu.memory_space<vmem>> -> memref<128xi32, #tpu.memory_space<vmem>>
    %dma_start3A_413 = arith.constant 0 : i32
    %dma_start3A_414 = tpu.memref_slice %arg13[%dma_start3A_413] : memref<32768xi32, #tpu.memory_space<vmem_shared>> -> memref<32768xi32, #tpu.memory_space<vmem_shared>>
    tpu.enqueue_indirect_dma source(%dma_start3A_409 : memref<128xi32, #tpu.memory_space<vmem>>) target(%dma_start3A_414 : memref<32768xi32, #tpu.memory_space<vmem_shared>>) offsets(%dma_start3A_412 : memref<128xi32, #tpu.memory_space<vmem>>) semaphore(%arg14 : memref<!tpu.dma_semaphore, #tpu.memory_space<semaphore_mem>>)
    %dma_start3A_415 = arith.constant 15 : i32
    %dma_start3A_416 = arith.constant 1920 : i32
    %dma_start3A_417 = tpu.memref_slice %arg6[%dma_start3A_416] : memref<2048xi32, #tpu.memory_space<vmem>> -> memref<128xi32, #tpu.memory_space<vmem>>
    %dma_start3A_418 = arith.constant 0 : i32
    %dma_start3A_419 = tpu.memref_slice %arg7[%dma_start3A_415, %dma_start3A_418] : memref<16x128xi32, #tpu.memory_space<vmem>> -> memref<1x128xi32, #tpu.memory_space<vmem>>
    %dma_start3A_420 = tpu.memref_squeeze %dma_start3A_419 : memref<1x128xi32, #tpu.memory_space<vmem>> -> memref<128xi32, #tpu.memory_space<vmem>>
    %dma_start3A_421 = arith.constant 0 : i32
    %dma_start3A_422 = tpu.memref_slice %arg13[%dma_start3A_421] : memref<32768xi32, #tpu.memory_space<vmem_shared>> -> memref<32768xi32, #tpu.memory_space<vmem_shared>>
    tpu.enqueue_indirect_dma source(%dma_start3A_417 : memref<128xi32, #tpu.memory_space<vmem>>) target(%dma_start3A_422 : memref<32768xi32, #tpu.memory_space<vmem_shared>>) offsets(%dma_start3A_420 : memref<128xi32, #tpu.memory_space<vmem>>) semaphore(%arg14 : memref<!tpu.dma_semaphore, #tpu.memory_space<semaphore_mem>>)
    %dma_wait3A = arith.constant 0 : i32
    %dma_wait3A_423 = arith.constant 0 : i32
    %dma_wait3A_424 = tpu.memref_slice %arg6[%dma_wait3A_423] : memref<2048xi32, #tpu.memory_space<vmem>> -> memref<128xi32, #tpu.memory_space<vmem>>
    %dma_wait3A_425 = arith.constant 0 : i32
    %dma_wait3A_426 = tpu.memref_slice %arg7[%dma_wait3A, %dma_wait3A_425] : memref<16x128xi32, #tpu.memory_space<vmem>> -> memref<1x128xi32, #tpu.memory_space<vmem>>
    %dma_wait3A_427 = tpu.memref_squeeze %dma_wait3A_426 : memref<1x128xi32, #tpu.memory_space<vmem>> -> memref<128xi32, #tpu.memory_space<vmem>>
    %dma_wait3A_428 = arith.constant 0 : i32
    %dma_wait3A_429 = tpu.memref_slice %arg13[%dma_wait3A_428] : memref<32768xi32, #tpu.memory_space<vmem_shared>> -> memref<32768xi32, #tpu.memory_space<vmem_shared>>
    tpu.wait_indirect_dma semaphore(%arg14 : memref<!tpu.dma_semaphore, #tpu.memory_space<semaphore_mem>>) src(%dma_wait3A_424 : memref<128xi32, #tpu.memory_space<vmem>>) dst(%dma_wait3A_429 : memref<32768xi32, #tpu.memory_space<vmem_shared>>)
    %dma_wait3A_430 = arith.constant 1 : i32
    %dma_wait3A_431 = arith.constant 128 : i32
    %dma_wait3A_432 = tpu.memref_slice %arg6[%dma_wait3A_431] : memref<2048xi32, #tpu.memory_space<vmem>> -> memref<128xi32, #tpu.memory_space<vmem>>
    %dma_wait3A_433 = arith.constant 0 : i32
    %dma_wait3A_434 = tpu.memref_slice %arg7[%dma_wait3A_430, %dma_wait3A_433] : memref<16x128xi32, #tpu.memory_space<vmem>> -> memref<1x128xi32, #tpu.memory_space<vmem>>
    %dma_wait3A_435 = tpu.memref_squeeze %dma_wait3A_434 : memref<1x128xi32, #tpu.memory_space<vmem>> -> memref<128xi32, #tpu.memory_space<vmem>>
    %dma_wait3A_436 = arith.constant 0 : i32
    %dma_wait3A_437 = tpu.memref_slice %arg13[%dma_wait3A_436] : memref<32768xi32, #tpu.memory_space<vmem_shared>> -> memref<32768xi32, #tpu.memory_space<vmem_shared>>
    tpu.wait_indirect_dma semaphore(%arg14 : memref<!tpu.dma_semaphore, #tpu.memory_space<semaphore_mem>>) src(%dma_wait3A_432 : memref<128xi32, #tpu.memory_space<vmem>>) dst(%dma_wait3A_437 : memref<32768xi32, #tpu.memory_space<vmem_shared>>)
    %dma_wait3A_438 = arith.constant 2 : i32
    %dma_wait3A_439 = arith.constant 256 : i32
    %dma_wait3A_440 = tpu.memref_slice %arg6[%dma_wait3A_439] : memref<2048xi32, #tpu.memory_space<vmem>> -> memref<128xi32, #tpu.memory_space<vmem>>
    %dma_wait3A_441 = arith.constant 0 : i32
    %dma_wait3A_442 = tpu.memref_slice %arg7[%dma_wait3A_438, %dma_wait3A_441] : memref<16x128xi32, #tpu.memory_space<vmem>> -> memref<1x128xi32, #tpu.memory_space<vmem>>
    %dma_wait3A_443 = tpu.memref_squeeze %dma_wait3A_442 : memref<1x128xi32, #tpu.memory_space<vmem>> -> memref<128xi32, #tpu.memory_space<vmem>>
    %dma_wait3A_444 = arith.constant 0 : i32
    %dma_wait3A_445 = tpu.memref_slice %arg13[%dma_wait3A_444] : memref<32768xi32, #tpu.memory_space<vmem_shared>> -> memref<32768xi32, #tpu.memory_space<vmem_shared>>
    tpu.wait_indirect_dma semaphore(%arg14 : memref<!tpu.dma_semaphore, #tpu.memory_space<semaphore_mem>>) src(%dma_wait3A_440 : memref<128xi32, #tpu.memory_space<vmem>>) dst(%dma_wait3A_445 : memref<32768xi32, #tpu.memory_space<vmem_shared>>)
    %dma_wait3A_446 = arith.constant 3 : i32
    %dma_wait3A_447 = arith.constant 384 : i32
    %dma_wait3A_448 = tpu.memref_slice %arg6[%dma_wait3A_447] : memref<2048xi32, #tpu.memory_space<vmem>> -> memref<128xi32, #tpu.memory_space<vmem>>
    %dma_wait3A_449 = arith.constant 0 : i32
    %dma_wait3A_450 = tpu.memref_slice %arg7[%dma_wait3A_446, %dma_wait3A_449] : memref<16x128xi32, #tpu.memory_space<vmem>> -> memref<1x128xi32, #tpu.memory_space<vmem>>
    %dma_wait3A_451 = tpu.memref_squeeze %dma_wait3A_450 : memref<1x128xi32, #tpu.memory_space<vmem>> -> memref<128xi32, #tpu.memory_space<vmem>>
    %dma_wait3A_452 = arith.constant 0 : i32
    %dma_wait3A_453 = tpu.memref_slice %arg13[%dma_wait3A_452] : memref<32768xi32, #tpu.memory_space<vmem_shared>> -> memref<32768xi32, #tpu.memory_space<vmem_shared>>
    tpu.wait_indirect_dma semaphore(%arg14 : memref<!tpu.dma_semaphore, #tpu.memory_space<semaphore_mem>>) src(%dma_wait3A_448 : memref<128xi32, #tpu.memory_space<vmem>>) dst(%dma_wait3A_453 : memref<32768xi32, #tpu.memory_space<vmem_shared>>)
    %dma_wait3A_454 = arith.constant 4 : i32
    %dma_wait3A_455 = arith.constant 512 : i32
    %dma_wait3A_456 = tpu.memref_slice %arg6[%dma_wait3A_455] : memref<2048xi32, #tpu.memory_space<vmem>> -> memref<128xi32, #tpu.memory_space<vmem>>
    %dma_wait3A_457 = arith.constant 0 : i32
    %dma_wait3A_458 = tpu.memref_slice %arg7[%dma_wait3A_454, %dma_wait3A_457] : memref<16x128xi32, #tpu.memory_space<vmem>> -> memref<1x128xi32, #tpu.memory_space<vmem>>
    %dma_wait3A_459 = tpu.memref_squeeze %dma_wait3A_458 : memref<1x128xi32, #tpu.memory_space<vmem>> -> memref<128xi32, #tpu.memory_space<vmem>>
    %dma_wait3A_460 = arith.constant 0 : i32
    %dma_wait3A_461 = tpu.memref_slice %arg13[%dma_wait3A_460] : memref<32768xi32, #tpu.memory_space<vmem_shared>> -> memref<32768xi32, #tpu.memory_space<vmem_shared>>
    tpu.wait_indirect_dma semaphore(%arg14 : memref<!tpu.dma_semaphore, #tpu.memory_space<semaphore_mem>>) src(%dma_wait3A_456 : memref<128xi32, #tpu.memory_space<vmem>>) dst(%dma_wait3A_461 : memref<32768xi32, #tpu.memory_space<vmem_shared>>)
    %dma_wait3A_462 = arith.constant 5 : i32
    %dma_wait3A_463 = arith.constant 640 : i32
    %dma_wait3A_464 = tpu.memref_slice %arg6[%dma_wait3A_463] : memref<2048xi32, #tpu.memory_space<vmem>> -> memref<128xi32, #tpu.memory_space<vmem>>
    %dma_wait3A_465 = arith.constant 0 : i32
    %dma_wait3A_466 = tpu.memref_slice %arg7[%dma_wait3A_462, %dma_wait3A_465] : memref<16x128xi32, #tpu.memory_space<vmem>> -> memref<1x128xi32, #tpu.memory_space<vmem>>
    %dma_wait3A_467 = tpu.memref_squeeze %dma_wait3A_466 : memref<1x128xi32, #tpu.memory_space<vmem>> -> memref<128xi32, #tpu.memory_space<vmem>>
    %dma_wait3A_468 = arith.constant 0 : i32
    %dma_wait3A_469 = tpu.memref_slice %arg13[%dma_wait3A_468] : memref<32768xi32, #tpu.memory_space<vmem_shared>> -> memref<32768xi32, #tpu.memory_space<vmem_shared>>
    tpu.wait_indirect_dma semaphore(%arg14 : memref<!tpu.dma_semaphore, #tpu.memory_space<semaphore_mem>>) src(%dma_wait3A_464 : memref<128xi32, #tpu.memory_space<vmem>>) dst(%dma_wait3A_469 : memref<32768xi32, #tpu.memory_space<vmem_shared>>)
    %dma_wait3A_470 = arith.constant 6 : i32
    %dma_wait3A_471 = arith.constant 768 : i32
    %dma_wait3A_472 = tpu.memref_slice %arg6[%dma_wait3A_471] : memref<2048xi32, #tpu.memory_space<vmem>> -> memref<128xi32, #tpu.memory_space<vmem>>
    %dma_wait3A_473 = arith.constant 0 : i32
    %dma_wait3A_474 = tpu.memref_slice %arg7[%dma_wait3A_470, %dma_wait3A_473] : memref<16x128xi32, #tpu.memory_space<vmem>> -> memref<1x128xi32, #tpu.memory_space<vmem>>
    %dma_wait3A_475 = tpu.memref_squeeze %dma_wait3A_474 : memref<1x128xi32, #tpu.memory_space<vmem>> -> memref<128xi32, #tpu.memory_space<vmem>>
    %dma_wait3A_476 = arith.constant 0 : i32
    %dma_wait3A_477 = tpu.memref_slice %arg13[%dma_wait3A_476] : memref<32768xi32, #tpu.memory_space<vmem_shared>> -> memref<32768xi32, #tpu.memory_space<vmem_shared>>
    tpu.wait_indirect_dma semaphore(%arg14 : memref<!tpu.dma_semaphore, #tpu.memory_space<semaphore_mem>>) src(%dma_wait3A_472 : memref<128xi32, #tpu.memory_space<vmem>>) dst(%dma_wait3A_477 : memref<32768xi32, #tpu.memory_space<vmem_shared>>)
    %dma_wait3A_478 = arith.constant 7 : i32
    %dma_wait3A_479 = arith.constant 896 : i32
    %dma_wait3A_480 = tpu.memref_slice %arg6[%dma_wait3A_479] : memref<2048xi32, #tpu.memory_space<vmem>> -> memref<128xi32, #tpu.memory_space<vmem>>
    %dma_wait3A_481 = arith.constant 0 : i32
    %dma_wait3A_482 = tpu.memref_slice %arg7[%dma_wait3A_478, %dma_wait3A_481] : memref<16x128xi32, #tpu.memory_space<vmem>> -> memref<1x128xi32, #tpu.memory_space<vmem>>
    %dma_wait3A_483 = tpu.memref_squeeze %dma_wait3A_482 : memref<1x128xi32, #tpu.memory_space<vmem>> -> memref<128xi32, #tpu.memory_space<vmem>>
    %dma_wait3A_484 = arith.constant 0 : i32
    %dma_wait3A_485 = tpu.memref_slice %arg13[%dma_wait3A_484] : memref<32768xi32, #tpu.memory_space<vmem_shared>> -> memref<32768xi32, #tpu.memory_space<vmem_shared>>
    tpu.wait_indirect_dma semaphore(%arg14 : memref<!tpu.dma_semaphore, #tpu.memory_space<semaphore_mem>>) src(%dma_wait3A_480 : memref<128xi32, #tpu.memory_space<vmem>>) dst(%dma_wait3A_485 : memref<32768xi32, #tpu.memory_space<vmem_shared>>)
    %dma_wait3A_486 = arith.constant 8 : i32
    %dma_wait3A_487 = arith.constant 1024 : i32
    %dma_wait3A_488 = tpu.memref_slice %arg6[%dma_wait3A_487] : memref<2048xi32, #tpu.memory_space<vmem>> -> memref<128xi32, #tpu.memory_space<vmem>>
    %dma_wait3A_489 = arith.constant 0 : i32
    %dma_wait3A_490 = tpu.memref_slice %arg7[%dma_wait3A_486, %dma_wait3A_489] : memref<16x128xi32, #tpu.memory_space<vmem>> -> memref<1x128xi32, #tpu.memory_space<vmem>>
    %dma_wait3A_491 = tpu.memref_squeeze %dma_wait3A_490 : memref<1x128xi32, #tpu.memory_space<vmem>> -> memref<128xi32, #tpu.memory_space<vmem>>
    %dma_wait3A_492 = arith.constant 0 : i32
    %dma_wait3A_493 = tpu.memref_slice %arg13[%dma_wait3A_492] : memref<32768xi32, #tpu.memory_space<vmem_shared>> -> memref<32768xi32, #tpu.memory_space<vmem_shared>>
    tpu.wait_indirect_dma semaphore(%arg14 : memref<!tpu.dma_semaphore, #tpu.memory_space<semaphore_mem>>) src(%dma_wait3A_488 : memref<128xi32, #tpu.memory_space<vmem>>) dst(%dma_wait3A_493 : memref<32768xi32, #tpu.memory_space<vmem_shared>>)
    %dma_wait3A_494 = arith.constant 9 : i32
    %dma_wait3A_495 = arith.constant 1152 : i32
    %dma_wait3A_496 = tpu.memref_slice %arg6[%dma_wait3A_495] : memref<2048xi32, #tpu.memory_space<vmem>> -> memref<128xi32, #tpu.memory_space<vmem>>
    %dma_wait3A_497 = arith.constant 0 : i32
    %dma_wait3A_498 = tpu.memref_slice %arg7[%dma_wait3A_494, %dma_wait3A_497] : memref<16x128xi32, #tpu.memory_space<vmem>> -> memref<1x128xi32, #tpu.memory_space<vmem>>
    %dma_wait3A_499 = tpu.memref_squeeze %dma_wait3A_498 : memref<1x128xi32, #tpu.memory_space<vmem>> -> memref<128xi32, #tpu.memory_space<vmem>>
    %dma_wait3A_500 = arith.constant 0 : i32
    %dma_wait3A_501 = tpu.memref_slice %arg13[%dma_wait3A_500] : memref<32768xi32, #tpu.memory_space<vmem_shared>> -> memref<32768xi32, #tpu.memory_space<vmem_shared>>
    tpu.wait_indirect_dma semaphore(%arg14 : memref<!tpu.dma_semaphore, #tpu.memory_space<semaphore_mem>>) src(%dma_wait3A_496 : memref<128xi32, #tpu.memory_space<vmem>>) dst(%dma_wait3A_501 : memref<32768xi32, #tpu.memory_space<vmem_shared>>)
    %dma_wait3A_502 = arith.constant 10 : i32
    %dma_wait3A_503 = arith.constant 1280 : i32
    %dma_wait3A_504 = tpu.memref_slice %arg6[%dma_wait3A_503] : memref<2048xi32, #tpu.memory_space<vmem>> -> memref<128xi32, #tpu.memory_space<vmem>>
    %dma_wait3A_505 = arith.constant 0 : i32
    %dma_wait3A_506 = tpu.memref_slice %arg7[%dma_wait3A_502, %dma_wait3A_505] : memref<16x128xi32, #tpu.memory_space<vmem>> -> memref<1x128xi32, #tpu.memory_space<vmem>>
    %dma_wait3A_507 = tpu.memref_squeeze %dma_wait3A_506 : memref<1x128xi32, #tpu.memory_space<vmem>> -> memref<128xi32, #tpu.memory_space<vmem>>
    %dma_wait3A_508 = arith.constant 0 : i32
    %dma_wait3A_509 = tpu.memref_slice %arg13[%dma_wait3A_508] : memref<32768xi32, #tpu.memory_space<vmem_shared>> -> memref<32768xi32, #tpu.memory_space<vmem_shared>>
    tpu.wait_indirect_dma semaphore(%arg14 : memref<!tpu.dma_semaphore, #tpu.memory_space<semaphore_mem>>) src(%dma_wait3A_504 : memref<128xi32, #tpu.memory_space<vmem>>) dst(%dma_wait3A_509 : memref<32768xi32, #tpu.memory_space<vmem_shared>>)
    %dma_wait3A_510 = arith.constant 11 : i32
    %dma_wait3A_511 = arith.constant 1408 : i32
    %dma_wait3A_512 = tpu.memref_slice %arg6[%dma_wait3A_511] : memref<2048xi32, #tpu.memory_space<vmem>> -> memref<128xi32, #tpu.memory_space<vmem>>
    %dma_wait3A_513 = arith.constant 0 : i32
    %dma_wait3A_514 = tpu.memref_slice %arg7[%dma_wait3A_510, %dma_wait3A_513] : memref<16x128xi32, #tpu.memory_space<vmem>> -> memref<1x128xi32, #tpu.memory_space<vmem>>
    %dma_wait3A_515 = tpu.memref_squeeze %dma_wait3A_514 : memref<1x128xi32, #tpu.memory_space<vmem>> -> memref<128xi32, #tpu.memory_space<vmem>>
    %dma_wait3A_516 = arith.constant 0 : i32
    %dma_wait3A_517 = tpu.memref_slice %arg13[%dma_wait3A_516] : memref<32768xi32, #tpu.memory_space<vmem_shared>> -> memref<32768xi32, #tpu.memory_space<vmem_shared>>
    tpu.wait_indirect_dma semaphore(%arg14 : memref<!tpu.dma_semaphore, #tpu.memory_space<semaphore_mem>>) src(%dma_wait3A_512 : memref<128xi32, #tpu.memory_space<vmem>>) dst(%dma_wait3A_517 : memref<32768xi32, #tpu.memory_space<vmem_shared>>)
    %dma_wait3A_518 = arith.constant 12 : i32
    %dma_wait3A_519 = arith.constant 1536 : i32
    %dma_wait3A_520 = tpu.memref_slice %arg6[%dma_wait3A_519] : memref<2048xi32, #tpu.memory_space<vmem>> -> memref<128xi32, #tpu.memory_space<vmem>>
    %dma_wait3A_521 = arith.constant 0 : i32
    %dma_wait3A_522 = tpu.memref_slice %arg7[%dma_wait3A_518, %dma_wait3A_521] : memref<16x128xi32, #tpu.memory_space<vmem>> -> memref<1x128xi32, #tpu.memory_space<vmem>>
    %dma_wait3A_523 = tpu.memref_squeeze %dma_wait3A_522 : memref<1x128xi32, #tpu.memory_space<vmem>> -> memref<128xi32, #tpu.memory_space<vmem>>
    %dma_wait3A_524 = arith.constant 0 : i32
    %dma_wait3A_525 = tpu.memref_slice %arg13[%dma_wait3A_524] : memref<32768xi32, #tpu.memory_space<vmem_shared>> -> memref<32768xi32, #tpu.memory_space<vmem_shared>>
    tpu.wait_indirect_dma semaphore(%arg14 : memref<!tpu.dma_semaphore, #tpu.memory_space<semaphore_mem>>) src(%dma_wait3A_520 : memref<128xi32, #tpu.memory_space<vmem>>) dst(%dma_wait3A_525 : memref<32768xi32, #tpu.memory_space<vmem_shared>>)
    %dma_wait3A_526 = arith.constant 13 : i32
    %dma_wait3A_527 = arith.constant 1664 : i32
    %dma_wait3A_528 = tpu.memref_slice %arg6[%dma_wait3A_527] : memref<2048xi32, #tpu.memory_space<vmem>> -> memref<128xi32, #tpu.memory_space<vmem>>
    %dma_wait3A_529 = arith.constant 0 : i32
    %dma_wait3A_530 = tpu.memref_slice %arg7[%dma_wait3A_526, %dma_wait3A_529] : memref<16x128xi32, #tpu.memory_space<vmem>> -> memref<1x128xi32, #tpu.memory_space<vmem>>
    %dma_wait3A_531 = tpu.memref_squeeze %dma_wait3A_530 : memref<1x128xi32, #tpu.memory_space<vmem>> -> memref<128xi32, #tpu.memory_space<vmem>>
    %dma_wait3A_532 = arith.constant 0 : i32
    %dma_wait3A_533 = tpu.memref_slice %arg13[%dma_wait3A_532] : memref<32768xi32, #tpu.memory_space<vmem_shared>> -> memref<32768xi32, #tpu.memory_space<vmem_shared>>
    tpu.wait_indirect_dma semaphore(%arg14 : memref<!tpu.dma_semaphore, #tpu.memory_space<semaphore_mem>>) src(%dma_wait3A_528 : memref<128xi32, #tpu.memory_space<vmem>>) dst(%dma_wait3A_533 : memref<32768xi32, #tpu.memory_space<vmem_shared>>)
    %dma_wait3A_534 = arith.constant 14 : i32
    %dma_wait3A_535 = arith.constant 1792 : i32
    %dma_wait3A_536 = tpu.memref_slice %arg6[%dma_wait3A_535] : memref<2048xi32, #tpu.memory_space<vmem>> -> memref<128xi32, #tpu.memory_space<vmem>>
    %dma_wait3A_537 = arith.constant 0 : i32
    %dma_wait3A_538 = tpu.memref_slice %arg7[%dma_wait3A_534, %dma_wait3A_537] : memref<16x128xi32, #tpu.memory_space<vmem>> -> memref<1x128xi32, #tpu.memory_space<vmem>>
    %dma_wait3A_539 = tpu.memref_squeeze %dma_wait3A_538 : memref<1x128xi32, #tpu.memory_space<vmem>> -> memref<128xi32, #tpu.memory_space<vmem>>
    %dma_wait3A_540 = arith.constant 0 : i32
    %dma_wait3A_541 = tpu.memref_slice %arg13[%dma_wait3A_540] : memref<32768xi32, #tpu.memory_space<vmem_shared>> -> memref<32768xi32, #tpu.memory_space<vmem_shared>>
    tpu.wait_indirect_dma semaphore(%arg14 : memref<!tpu.dma_semaphore, #tpu.memory_space<semaphore_mem>>) src(%dma_wait3A_536 : memref<128xi32, #tpu.memory_space<vmem>>) dst(%dma_wait3A_541 : memref<32768xi32, #tpu.memory_space<vmem_shared>>)
    %dma_wait3A_542 = arith.constant 15 : i32
    %dma_wait3A_543 = arith.constant 1920 : i32
    %dma_wait3A_544 = tpu.memref_slice %arg6[%dma_wait3A_543] : memref<2048xi32, #tpu.memory_space<vmem>> -> memref<128xi32, #tpu.memory_space<vmem>>
    %dma_wait3A_545 = arith.constant 0 : i32
    %dma_wait3A_546 = tpu.memref_slice %arg7[%dma_wait3A_542, %dma_wait3A_545] : memref<16x128xi32, #tpu.memory_space<vmem>> -> memref<1x128xi32, #tpu.memory_space<vmem>>
    %dma_wait3A_547 = tpu.memref_squeeze %dma_wait3A_546 : memref<1x128xi32, #tpu.memory_space<vmem>> -> memref<128xi32, #tpu.memory_space<vmem>>
    %dma_wait3A_548 = arith.constant 0 : i32
    %dma_wait3A_549 = tpu.memref_slice %arg13[%dma_wait3A_548] : memref<32768xi32, #tpu.memory_space<vmem_shared>> -> memref<32768xi32, #tpu.memory_space<vmem_shared>>
    tpu.wait_indirect_dma semaphore(%arg14 : memref<!tpu.dma_semaphore, #tpu.memory_space<semaphore_mem>>) src(%dma_wait3A_544 : memref<128xi32, #tpu.memory_space<vmem>>) dst(%dma_wait3A_549 : memref<32768xi32, #tpu.memory_space<vmem_shared>>)
    %barrier3A_550 = arith.constant 0 : index
    tpu.barrier barrier_id(%barrier3A_550)
    "tpu.region"() ({
      %run_scoped3A = tpu.sem_alloc : memref<!tpu.dma_semaphore, #tpu.memory_space<semaphore_mem>>
      %dma_start3A_554 = tpu.memref_slice %arg3[%mul3A_0] : memref<32768xi32, #tpu.memory_space<hbm>> -> memref<2048xi32, #tpu.memory_space<hbm>>
      %dma_start3A_555 = tpu.memref_slice %arg13[%mul3A_0] : memref<32768xi32, #tpu.memory_space<vmem_shared>> -> memref<2048xi32, #tpu.memory_space<vmem_shared>>
      tpu.enqueue_dma source(%dma_start3A_555 : memref<2048xi32, #tpu.memory_space<vmem_shared>>) target(%dma_start3A_554 : memref<2048xi32, #tpu.memory_space<hbm>>) target_semaphore(%run_scoped3A : memref<!tpu.dma_semaphore, #tpu.memory_space<semaphore_mem>>)
      %dma_wait3A_556 = tpu.memref_slice %arg3[%mul3A_0] : memref<32768xi32, #tpu.memory_space<hbm>> -> memref<2048xi32, #tpu.memory_space<hbm>>
      %dma_wait3A_557 = tpu.memref_slice %arg13[%mul3A_0] : memref<32768xi32, #tpu.memory_space<vmem_shared>> -> memref<2048xi32, #tpu.memory_space<vmem_shared>>
      tpu.wait_dma2 semaphore(%run_scoped3A : memref<!tpu.dma_semaphore, #tpu.memory_space<semaphore_mem>>) src(%dma_wait3A_557 : memref<2048xi32, #tpu.memory_space<vmem_shared>>) dst(%dma_wait3A_556 : memref<2048xi32, #tpu.memory_space<hbm>>)
      tpu.yield
    }) : () -> ()
    %eq3A_551 = arith.constant 0 : i32
    %eq3A_552 = arith.cmpi eq, %arg1, %eq3A_551 : i32
    %convert_element_type3A = arith.extui %eq3A_552 : i1 to i32
    %cond3A = arith.constant 0 : i32
    %cond3A_553 = arith.cmpi ne, %convert_element_type3A, %cond3A : i32
    scf.if %cond3A_553 {
      %convert_element_type3A_554 = arith.sitofp %add3A_206 : vector<16xi32> to vector<16xf32>
      %swap3A_555 = arith.constant 0 : index
      %swap3A_556 = tpu.vector_load %arg11[%swap3A_555] {strides = array<i32>} : memref<16xf32, #tpu.memory_space<vmem>>, vector<16xf32>,
      tpu.vector_store %arg11[%swap3A_555], %convert_element_type3A_554 {strides = array<i32>} : memref<16xf32, #tpu.memory_space<vmem>>, vector<16xf32>,
      "tpu.region"() ({
        %run_scoped3A = tpu.sem_alloc : memref<!tpu.dma_semaphore, #tpu.memory_space<semaphore_mem>>
        tpu.enqueue_dma source(%arg11 : memref<16xf32, #tpu.memory_space<vmem>>) target(%arg4 : memref<16xf32, #tpu.memory_space<hbm>>) target_semaphore(%run_scoped3A : memref<!tpu.dma_semaphore, #tpu.memory_space<semaphore_mem>>)
        tpu.wait_dma2 semaphore(%run_scoped3A : memref<!tpu.dma_semaphore, #tpu.memory_space<semaphore_mem>>) src(%arg11 : memref<16xf32, #tpu.memory_space<vmem>>) dst(%arg4 : memref<16xf32, #tpu.memory_space<hbm>>)
        tpu.yield
      }) : () -> ()
    } else {
    }
    return
  }
}

#map = affine_map<(d0, d1) -> (0)>
module attributes {stable_mosaic.version = 14 : i64} {
  func.func @_gather_scores(%arg0: i32, %arg1: i32, %arg2: memref<32768xf32, #tpu.memory_space<hbm>>, %arg3: memref<32768xi32, #tpu.memory_space<hbm>>, %arg4: memref<32768xf32, #tpu.memory_space<hbm>>, %arg5: memref<32768xf32, #tpu.memory_space<vmem>>, %arg6: memref<2048xi32, #tpu.memory_space<vmem>>, %arg7: memref<2048xf32, #tpu.memory_space<vmem>>, %arg8: memref<!tpu.dma_semaphore, #tpu.memory_space<semaphore_mem>>) attributes {dimension_semantics = [#tpu.dimension_semantics<core_parallel>, #tpu.dimension_semantics<subcore_parallel>], iteration_bounds = array<i64: 1, 16>, scalar_prefetch = 0 : i64, scratch_operands = 4 : i64, tpu.core_type = #tpu.core_type<sc_vector_subcore>, window_params = [{transform_indices = #map}, {transform_indices = #map}, {transform_indices = #map}]} {
    %mul3A = arith.constant 2048 : i32
    %mul3A_0 = arith.muli %arg1, %mul3A : i32
    "tpu.region"() ({
      %run_scoped3A = tpu.sem_alloc : memref<!tpu.dma_semaphore, #tpu.memory_space<semaphore_mem>>
      tpu.enqueue_dma source(%arg2 : memref<32768xf32, #tpu.memory_space<hbm>>) target(%arg5 : memref<32768xf32, #tpu.memory_space<vmem>>) target_semaphore(%run_scoped3A : memref<!tpu.dma_semaphore, #tpu.memory_space<semaphore_mem>>)
      tpu.wait_dma2 semaphore(%run_scoped3A : memref<!tpu.dma_semaphore, #tpu.memory_space<semaphore_mem>>) src(%arg2 : memref<32768xf32, #tpu.memory_space<hbm>>) dst(%arg5 : memref<32768xf32, #tpu.memory_space<vmem>>)
      tpu.yield
    }) : () -> ()
    "tpu.region"() ({
      %run_scoped3A = tpu.sem_alloc : memref<!tpu.dma_semaphore, #tpu.memory_space<semaphore_mem>>
      %dma_start3A = tpu.memref_slice %arg3[%mul3A_0] : memref<32768xi32, #tpu.memory_space<hbm>> -> memref<2048xi32, #tpu.memory_space<hbm>>
      %dma_start3A_6 = tpu.memref_slice %arg3[%mul3A_0] : memref<32768xi32, #tpu.memory_space<hbm>> -> memref<2048xi32, #tpu.memory_space<hbm>>
      tpu.enqueue_dma source(%dma_start3A_6 : memref<2048xi32, #tpu.memory_space<hbm>>) target(%arg6 : memref<2048xi32, #tpu.memory_space<vmem>>) target_semaphore(%run_scoped3A : memref<!tpu.dma_semaphore, #tpu.memory_space<semaphore_mem>>)
      %dma_wait3A = tpu.memref_slice %arg3[%mul3A_0] : memref<32768xi32, #tpu.memory_space<hbm>> -> memref<2048xi32, #tpu.memory_space<hbm>>
      %dma_wait3A_7 = tpu.memref_slice %arg3[%mul3A_0] : memref<32768xi32, #tpu.memory_space<hbm>> -> memref<2048xi32, #tpu.memory_space<hbm>>
      tpu.wait_dma2 semaphore(%run_scoped3A : memref<!tpu.dma_semaphore, #tpu.memory_space<semaphore_mem>>) src(%dma_wait3A_7 : memref<2048xi32, #tpu.memory_space<hbm>>) dst(%arg6 : memref<2048xi32, #tpu.memory_space<vmem>>)
      tpu.yield
    }) : () -> ()
    %scan3A = arith.constant 0 : i32
    %scan3A_1 = arith.constant 0 : i32
    %scan3A_2 = arith.constant 128 : i32
    %scan3A_3 = arith.addi %scan3A_1, %scan3A_2 : i32
    %scan3A_4 = arith.constant 1 : i32
    scf.for %scan3A_6 = %scan3A_1 to %scan3A_3 step %scan3A_4  : i32 {
      %mul3A_7 = arith.constant 16 : i32
      %mul3A_8 = arith.muli %scan3A_6, %mul3A_7 : i32
      %get3A = arith.index_cast %mul3A_8 : i32 to index
      %get3A_9 = tpu.vector_load %arg6[%get3A] {strides = array<i32>} : memref<2048xi32, #tpu.memory_space<vmem>>, vector<16xi32>,
      %gather3A = tpu.vector_load_idx %arg5[%get3A_9] : memref<32768xf32, #tpu.memory_space<vmem>>[vector<16xi32>], vector<16xf32>,
      %mul3A_10 = arith.constant 16 : i32
      %mul3A_11 = arith.muli %scan3A_6, %mul3A_10 : i32
      %swap3A = arith.index_cast %mul3A_11 : i32 to index
      %swap3A_12 = tpu.vector_load %arg7[%swap3A] {strides = array<i32>} : memref<2048xf32, #tpu.memory_space<vmem>>, vector<16xf32>,
      tpu.vector_store %arg7[%swap3A], %gather3A {strides = array<i32>} : memref<2048xf32, #tpu.memory_space<vmem>>, vector<16xf32>,
    }
    %scan3A_5 = arith.constant 128 : i32
    "tpu.region"() ({
      %run_scoped3A = tpu.sem_alloc : memref<!tpu.dma_semaphore, #tpu.memory_space<semaphore_mem>>
      %dma_start3A = tpu.memref_slice %arg4[%mul3A_0] : memref<32768xf32, #tpu.memory_space<hbm>> -> memref<2048xf32, #tpu.memory_space<hbm>>
      %dma_start3A_6 = tpu.memref_slice %arg4[%mul3A_0] : memref<32768xf32, #tpu.memory_space<hbm>> -> memref<2048xf32, #tpu.memory_space<hbm>>
      tpu.enqueue_dma source(%arg7 : memref<2048xf32, #tpu.memory_space<vmem>>) target(%dma_start3A_6 : memref<2048xf32, #tpu.memory_space<hbm>>) target_semaphore(%run_scoped3A : memref<!tpu.dma_semaphore, #tpu.memory_space<semaphore_mem>>)
      %dma_wait3A = tpu.memref_slice %arg4[%mul3A_0] : memref<32768xf32, #tpu.memory_space<hbm>> -> memref<2048xf32, #tpu.memory_space<hbm>>
      %dma_wait3A_7 = tpu.memref_slice %arg4[%mul3A_0] : memref<32768xf32, #tpu.memory_space<hbm>> -> memref<2048xf32, #tpu.memory_space<hbm>>
      tpu.wait_dma2 semaphore(%run_scoped3A : memref<!tpu.dma_semaphore, #tpu.memory_space<semaphore_mem>>) src(%arg7 : memref<2048xf32, #tpu.memory_space<vmem>>) dst(%dma_wait3A_7 : memref<2048xf32, #tpu.memory_space<hbm>>)
      tpu.yield
    }) : () -> ()
    return
  }
}

</mosaic_0001>

<sc_bundles>
// kernel: kernel.4.cloned.1.call-start
scs
__scs_entry_jumppad:
0x0: {  	(pc) =	sbr.rel $0x88, $3  }
0x1: {  	(tag) =	ssettag $0x0;
	lr =	simm.s32 $0x1  }
0x2: {  	[smem:$0x3F9F] =	sst lr;
	_ =	strace $0xD0000000  }
0x3: {  	_ = 	snop  }
0x4: {  	_ = 	snop  }
0x5: {  	_ = 	snop  }
0x6: {  	_ = 	snop  }
0x7: {  	_ = 	snop  }
__scs_overlays_trampoline_lowered:
0x8: {  	[smem:$0x3FAE] =	sst s0  }
0x9: {  	[smem:$0x3FAF] =	sst s1  }
0xa: {  	[smem:$0x3FB0] =	sst s2  }
0xb: {  	[smem:$0x3FB1] =	sst s3  }
0xc: {  	[smem:$0x3FB2] =	sst s4  }
0xd: {  	[smem:$0x3FB3] =	sst s5  }
0xe: {  	[smem:$0x3FB4] =	sst s6  }
0xf: {  	[smem:$0x3FB5] =	sst s7  }
0x10: {  	[smem:$0x3FB6] =	sst s8  }
0x11: {  	[smem:$0x3FB7] =	sst s9;
	s0 =	simm.s32 @!p0 $0x0  }
0x12: {  	s1 =	sld [smem:$0x3F9D];
	s0 =	simm.s32 @p0 $0x1  }
0x13: {  	[smem:$0x3FB8] =	sst s0;
	s0 =	simm.s32 @!p1 $0x0  }
0x14: {  	s2 =	sld [smem:$0x3F9C];
	s0 =	simm.s32 @p1 $0x1  }
0x15: {  	[smem:$0x3FB9] =	sst s0;
	s0 =	simm.s32 @!p2 $0x0  }
0x16: {  	s3 =	sld [smem:$0x3FDB];
	s0 =	simm.s32 @p2 $0x1  }
0x17: {  	s4 =	simm.s32 $0x1BF5;
	[smem:$0x3FBB] =	sst s0  }
0x18: {  	s0 =	sld [smem:$0x3F9E];
	_ =	swait.ge [sflag:s4], $0x0  }
0x19: {  	s7 =	sld [smem:$0x3F9F]  }
0x1a: {  	s8 =	sadd.s32 $0xFFFFE003, lr  }
0x1b: {  	s9 =	sadd.s32 $0xFFFFFEF7, lr;
	s5 =	simm.s32 $0xFFFFFFFF;
	p2 =	slt.u32 s8, $0xFFFFF086  }
0x1c: {  	p1 =	slt.u32 s9, $0xF7A;
	s5 =	simm.s32 @!p2 $0x0  }
0x1d: {  	s5 =	simm.s32 @p1 $0x1;
	p0 =	seq.s32 s7, s2  }
0x1e: {  	s7 =	smul.u32 @!p0 $0xF7A, s2;
	p2 =	seq.s32 @!p0 s5, $0x0  }
0x1f: {  	s9 =	smul.u32 $0xF7A, s1;
	s8 =	simm.s32 @!p0 $0x1BF5;
	p2 =	por !p2, p0  }
0x20: {  	[sflag:s8] =	ssyncset.s32 @!p0 $0xFFFFF086;
	s6 =	sadd.s32 @!p0 s3, s7;
	s7 =	simm.s32 @!p0 $0x108  }
0x21: {  	s3 =	sadd.s32 s3, s9;
	s6 =	sadd.s32 @!p0 $0x88, s6;
	s7 =	simm.s32 @p2 $0x1082  }
0x22: {  	[simem:s7], [sflag:s8] =	dma.local @!p0 [hbm:s6], $0xF7A  }
0x23: {  	s9 =	sor.u32 $0xD0000000, s2;
	s6 =	simm.s32 $0x108;
	_ =	swait.ge @!p0 [sflag:s8], $0x0  }
0x24: {  	s3 =	sadd.s32 $0x88, s3;
	s6 =	simm.s32 @!p1 $0x1082;
	[sflag:s4] =	ssyncset.s32 $0xFFFFF086  }
0x25: {  	[simem:s6], [sflag:s4] =	dma.local [hbm:s3], $0xF7A  }
0x26: {  	[smem:$0x3F9F] =	sst s1;
	(tag) =	ssettag s2;
	_ =	strace s9  }
0x27: {  	s1 =	sld [smem:$0x3FAF]  }
0x28: {  	s2 =	sld [smem:$0x3FB0]  }
0x29: {  	s4 =	sld [smem:$0x3FB2]  }
0x2a: {  	p0 =	seq.s32 s5, $0x0;
	s5 =	sld [smem:$0x3FB3]  }
0x2b: {  	s6 =	sld [smem:$0x3FB4]  }
0x2c: {  	s7 =	sld [smem:$0x3FB5]  }
0x2d: {  	s3 =	simm.s32 $0x108;
	s8 =	sld [smem:$0x3FB6]  }
0x2e: {  	s3 =	simm.s32 @!p0 $0x1082;
	s9 =	sld [smem:$0x3FB7]  }
0x2f: {  	lr =	sadd.s32 s0, s3;
	s0 =	sld [smem:$0x3FAE]  }
0x30: {  	s3 =	sld [smem:$0x3FB1]  }
0x31: {  	[smem:$0x3FBA] =	sst s10  }
0x32: {  	s10 =	sld [smem:$0x3FB8];
	_ =	sdelay $0x3  }
0x33: {  	p0 =	seq.s32 s10, $0x1;
	s10 =	sld [smem:$0x3FBA];
	_ =	sdelay $0x3  }
0x34: {  	[smem:$0x3FBA] =	sst s10  }
0x35: {  	s10 =	sld [smem:$0x3FB9];
	_ =	sdelay $0x3  }
0x36: {  	p1 =	seq.s32 s10, $0x1;
	s10 =	sld [smem:$0x3FBA];
	_ =	sdelay $0x3  }
0x37: {  	[smem:$0x3FBA] =	sst s10  }
0x38: {  	s10 =	sld [smem:$0x3FBB]  }
0x39: {  	_ = 	snop;
	(pc) =	sbr.ind lr, $3  }
0x3a: {  	_ = 	snop  }
0x3b: {  	_ = 	snop  }
0x3c: {  	p2 =	seq.s32 s10, $0x1;
	s10 =	sld [smem:$0x3FBA]  }
0x3d: {  	_ =	shalt  }
0x3e: {  	_ =	shalt  }
0x3f: {  	_ =	shalt  }
0x40: {  	_ =	shalt  }
0x41: {  	_ =	shalt  }
0x42: {  	_ =	shalt  }
0x43: {  	_ =	shalt  }
0x44: {  	_ =	shalt  }
0x45: {  	_ =	shalt  }
0x46: {  	_ =	shalt  }
0x47: {  	_ =	shalt  }
0x48: {  	_ =	shalt  }
0x49: {  	_ =	shalt  }
0x4a: {  	_ =	shalt  }
0x4b: {  	_ =	shalt  }
0x4c: {  	_ =	shalt  }
0x4d: {  	_ =	shalt  }
0x4e: {  	_ =	shalt  }
0x4f: {  	_ =	shalt  }
0x50: {  	_ =	shalt  }
0x51: {  	_ =	shalt  }
0x52: {  	_ =	shalt  }
0x53: {  	_ =	shalt  }
0x54: {  	_ =	shalt  }
0x55: {  	_ =	shalt  }
0x56: {  	_ =	shalt  }
0x57: {  	_ =	shalt  }
0x58: {  	_ =	shalt  }
0x59: {  	_ =	shalt  }
0x5a: {  	_ =	shalt  }
0x5b: {  	_ =	shalt  }
0x5c: {  	_ =	shalt  }
0x5d: {  	_ =	shalt  }
0x5e: {  	_ =	shalt  }
0x5f: {  	_ =	shalt  }
0x60: {  	_ =	shalt  }
0x61: {  	_ =	shalt  }
0x62: {  	_ =	shalt  }
0x63: {  	_ =	shalt  }
0x64: {  	_ =	shalt  }
0x65: {  	_ =	shalt  }
0x66: {  	_ =	shalt  }
0x67: {  	_ =	shalt  }
0x68: {  	_ =	shalt  }
0x69: {  	_ =	shalt  }
0x6a: {  	_ =	shalt  }
0x6b: {  	_ =	shalt  }
0x6c: {  	_ =	shalt  }
0x6d: {  	_ =	shalt  }
0x6e: {  	_ =	shalt  }
0x6f: {  	_ =	shalt  }
0x70: {  	_ =	shalt  }
0x71: {  	_ =	shalt  }
0x72: {  	_ =	shalt  }
0x73: {  	_ =	shalt  }
0x74: {  	_ =	shalt  }
0x75: {  	_ =	shalt  }
0x76: {  	_ =	shalt  }
0x77: {  	_ =	shalt  }
0x78: {  	_ =	shalt  }
0x79: {  	_ =	shalt  }
0x7a: {  	_ =	shalt  }
0x7b: {  	_ =	shalt  }
0x7c: {  	_ =	shalt  }
0x7d: {  	_ =	shalt  }
0x7e: {  	_ =	shalt  }
0x7f: {  	_ =	shalt  }
0x80: {  	_ =	shalt  }
0x81: {  	_ =	shalt  }
0x82: {  	_ =	shalt  }
0x83: {  	_ =	shalt  }
0x84: {  	_ =	shalt  }
0x85: {  	_ =	shalt  }
0x86: {  	_ =	shalt  }
0x87: {  	_ =	shalt  }
.Lfunc_end0:
.L_simem_size_0:
called_computation_lowered:
.L_overlay_start_0:
0x88: {  	s0 =	sld [smem:$0x3FD9]  }
0x89: {  	s1 =	sld [smem:$0x3FFE];
	_ =	sdelay $0x3  }
0x8a: {  	s0 =	sadd.s32 s1, s0  }
0x8b: {  	[smem:$0x3FC6] =	sst s0  }
0x8c: {  	_ = 	snop  }
0x8d: {  	s0 =	sld [smem:$0x3FD0];
	_ =	sdelay $0x2  }
0x8e: {  	s2 =	simm.s32 $0xA;
	s3 =	simm.s32 $0x10;
	s14 =	sld [smem:$0x3FC8]  }
0x8f: {  	[smem:s3], [sflag:s2] =	dma.local [hbm:s0], $0x1  }
0x90: {  	_ =	swait.eq [sflag:s2], $0x1  }
0x91: {  	[sflag:s2] =	ssyncset.done $0x0  }
0x92: {  	s15 =	sld [smem:$0x11];
	[sflag:s2] =	ssyncadd.s32 $0xFFFFFFFF  }
0x93: {  	s16 =	sld [smem:$0x12];
	(tm) =	ssettm $0x1  }
0x94: {  	s17 =	sld [smem:$0x3FFB];
	_ =	sdelay $0x3  }
0x95: {  	_ =	strace s17  }
0x96: {  	s3 =	sld [smem:$0x3FFC];
	_ =	sdelay $0x3  }
0x97: {  	_ =	strace s3  }
0x98: {  	s3 =	sld [smem:$0x3FFD];
	_ =	sdelay $0x3  }
0x99: {  	_ =	strace s3  }
0x9a: {  	_ =	strace $0x8FFFFFFF  }
0x9b: {  	s18 =	sld [smem:$0x3FDB];
	_ =	sdelay $0x1  }
0x9c: {  	s4 =	simm.s32 $_scs_section_size  }
0x9d: {  	s5 =	simm.s32 $_size__tile_overlayer_lowered;
	s6 =	simm.s32 $_tile_overlayer_lowered  }
0x9e: {  	s21 =	simm.s32 $0x1BFF;
	s20 =	sshll.u32 s6, $0x1;
	s3 =	sadd.s32 s4, s18  }
0x9f: {  	s7 =	simm.s32 $0x0;
	s19 =	sshll.u32 s5, $0x1;
	s5 =	sadd.s32 s20, s3  }
0xa0: {  	[timem:s7], [sflag:s21] =	dma.local [hbm:s5], s19  }
0xa1: {  	_ =	swait.ge [sflag:s21], s19  }
0xa2: {  	s4 =	ssub.s32 $0x0, s19;
	[sflag:s21] =	ssyncset.done $0x0  }
0xa3: {  	[sflag:s21] =	ssyncadd.s32 s4;
	_ =	sdelay $0x1  }
0xa4: {  	s22 =	simm.s32 $0x1B8B  }
0xa5: {  	_ =	swait.ge [sflag:s22], $0x1  }
0xa6: {  	[sflag:s22] =	ssyncset.done $0x0  }
0xa7: {  	s23 =	simm.s32 $0x1B8E;
	[sflag:s22] =	ssyncadd.s32 $0xFFFFFFFF  }
0xa8: {  	s24 =	simm.s32 $execute0_lowered;
	[smem:$0x3FD2] =	sst s23  }
0xa9: {  	s4 =	sshll.u32 s24, $0x1;
	_ =	strace $0x80000046;
	[dreg:$0x1] =	wrdreg $0xFFFFFFFF  }
0xaa: {  	s25 =	simm.s32 $_size_execute0_lowered;
	s3 =	sadd.s32 s3, s4;
	[dreg:$0x0] =	wrdreg $0x0  }
0xab: {  	s4 =	sshll.u32 s25, $0x1;
	[dreg:$0x2] =	wrdreg s3  }
0xac: {  	[dreg:$0x3] =	wrdreg s4  }
0xad: {  	[dreg:$0x4] =	wrdreg $0xC0  }
0xae: {  	_ =	task [dreg:s7], $0x5FFFF  }
0xaf: {  	[dreg:$0x1] =	wrdreg $0xFFFFFFFF  }
0xb0: {  	[dreg:$0x0] =	wrdreg $0x60  }
0xb1: {  	[dreg:$0x2] =	wrdreg s14  }
0xb2: {  	[dreg:$0x3] =	wrdreg s15  }
0xb3: {  	[dreg:$0x4] =	wrdreg s16  }
0xb4: {  	[dreg:$0x5] =	wrdreg $0x1B000  }
0xb5: {  	[dreg:$0x6] =	wrdreg $0x1B100  }
0xb6: {  	[dreg:$0x7] =	wrdreg $0x9  }
0xb7: {  	_ =	task.clear_ibuf [dreg:s7], $0x8FFFF;
	_ =	strace $0x90000046  }
0xb8: {  	s26 =	simm.s32 $0x9;
	_ =	strace $0x80000048  }
0xb9: {  	_ =	swait.ge [sflag:s26], $0x1  }
0xba: {  	[sflag:s26] =	ssyncadd.s32 $0xFFFFFFFF  }
0xbb: {  	_ =	strace $0x90000048  }
0xbc: {  	_ =	sfence  }
0xbd: {  	s28 =	sld [smem:$0x0];
	_ =	sdelay $0x1  }
0xbe: {  	s29 =	srdreg.scid  }
0xbf: {  	s30 =	sshll.u32 s29, $0xD;
	s31 =	sshrl.u32 s29, $0x2  }
0xc0: {  	s1 =	sand.u32 $0x1, s29;
	s2 =	sand.u32 $0x4000, s30;
	s0 =	sadd.s32 s31, s28  }
0xc1: {  	s1 =	sor.u32 s2, s1;
	s0 =	sshll.u32 s0, $0x11  }
0xc2: {  	s0 =	sor.u32 s0, s1  }
0xc3: {  	s0 =	sadd.s32 $0x8F2B, s0  }
0xc4: {  	[sflag:s0] =	ssyncadd.remote.s32 $0x1  }
0xc5: {  	_ =	sfence.sel $0xFFFF  }
0xc6: {  	[dreg:$0x0] =	wrdreg $0xFFFFFFFF;
	(pc) =	sbr.abs _section_cstart, $3  }
0xc7: {  	[dreg:$0x1] =	wrdreg $0xFFFFFFFF  }
0xc8: {  	_ =	task.clear_ibuf [dreg:s7], $0x2FFFF;
	_ =	strace $0x9FFFFFFF  }
0xc9: {  	(tm) =	ssettm $0x7FFFFFFF  }
tec
execute0_lowered:
.L_overlay_start_1:
0x0: {  	(tag) =	ssettag $0x1  }
0x1: {  	s6 =	rddreg [dreg:$0x0]  }
0x2: {  	s3 =	rddreg [dreg:$0x1]  }
0x3: {  	s1 =	rddreg [dreg:$0x2]  }
0x4: {  	s7 =	rddreg [dreg:$0x3]  }
0x5: {  	s4 =	rddreg [dreg:$0x4]  }
0x6: {  	s0 =	rddreg [dreg:$0x5];
	s8 =	simm.s32 $0x0;
	s2 =	stileid.u32  }
0x7: {  	[smem:$0x7FF] =	sst s8;
	s5 =	sshll.u32 s2, $0x8  }
0x8: {  	s30 =	simm.s32 $0x2;
	_ =	strace $0x80000047;
	s6 =	sadd.s32 s6, s5  }
0x9: {  	[tilespmem:s8], [sflag:$0x2] =	stream.linear.gather [hbm4b:s6+s8], $0x800, $0x38;
	[tilespmem:$0x2310] =	vst v63  }
0xa: {  	_ =	swait.ge [sflag:s30], $0x800  }
0xb: {  	[sflag:s30] =	ssyncset.done $0x0  }
0xc: {  	v3 =	vimm.s32 $0x0;
	[sflag:s30] =	ssyncadd.s32 $0xFFFFF800  }
0xd: {  	[tilespmem:$0x1800] =	vst v3  }
0xe: {  	[tilespmem:$0x1810] =	vst v3  }
0xf: {  	[tilespmem:$0x1820] =	vst v3  }
0x10: {  	[tilespmem:$0x1830] =	vst v3  }
0x11: {  	v0 =	vlaneseq.u32;
	[tilespmem:$0x1840] =	vst v3  }
0x12: {  	v1 =	vmul.u32 $0x80, v0;
	[tilespmem:$0x1850] =	vst v3  }
0x13: {  	[tilespmem:$0x1860] =	vst v3  }
0x14: {  	v2 =	vmov s8;
	v4 =	vor.u32 s8, v1;
	[tilespmem:$0x1870] =	vst v3  }
0x15: {  	v5 =	vshrl.u32 v0, $0x1;
	v6 =	vshll.u32 v2, $0x7;
	v4 =	vshrl.u32 v4, $0x1;
	[tilespmem:$0x1880] =	vst v3  }
0x16: {  	v2 =	vmul.u32 $0x100, v5;
	v5 =	vand.u32 $0x80, v6;
	v4 =	vand.u32 $0x7F, v4;
	[tilespmem:$0x1890] =	vst v3  }
0x17: {  	v4 =	vor.u32 v4, v5;
	[tilespmem:$0x18A0] =	vst v3  }
0x18: {  	[tilespmem:$0x18B0] =	vst v3;
	v4 =	vor.u32 v2, v4  }
0x19: {  	[tilespmem:$0x18C0] =	vst v3  }
0x1a: {  	[tilespmem:$0x18D0] =	vst v3  }
0x1b: {  	[tilespmem:$0x18E0] =	vst v3  }
0x1c: {  	[tilespmem:$0x18F0] =	vst v3  }
0x1d: {  	v4 =	vld.idx.msk [tilespmem:v4+s8+$0x0], $0xffff;
	_ =	sdelay $0x1  }
0x1e: {  	s31 =	simm.s32 $0x1  }
0x1f: {  	v6 =	vor.u32 s31, v1;
	v5 =	vmov s31;
	v3 =	vmul.u32 $0x10, v0  }
0x20: {  	v6 =	vshrl.u32 v6, $0x1;
	v5 =	vshll.u32 v5, $0x7  }
0x21: {  	v6 =	vand.u32 $0x7F, v6;
	v5 =	vand.u32 $0x80, v5;
	v7 =	vadd.s32 v3, v4  }
0x22: {  	v4 =	vor.u32 v6, v5  }
0x23: {  	v5 =	vor.u32 v2, v4;
	_ =	sdelay $0x1  }
0x24: {  	s9 =	simm.s32 $0x1800;
	s6 =	sshll.u32 s2, $0xB;
	v4 =	vimm.s32 $0x1  }
0x25: {  	s10 =	simm.s32 $0x800;
	v6 =	vor.u32 s6, v0;
	[tilespmem:v7+s9+$0x0] =	vst.idx.add.s32.msk $0xffff, v4  }
0x26: {  	[tilespmem:s10+$0x0] =	vst v6  }
0x27: {  	v5 =	vld.idx.msk [tilespmem:v5+s8+$0x0], $0xffff;
	_ =	sdelay $0x1  }
0x28: {  	s11 =	simm.s32 $0x2  }
0x29: {  	v7 =	vmov s11;
	v6 =	vor.u32 s11, v1  }
0x2a: {  	s12 =	simm.s32 $0x3;
	v7 =	vshll.u32 v7, $0x7;
	s11 =	smov.u32 s6;
	v6 =	vshrl.u32 v6, $0x1  }
.LBB2_1:
0x2b: {  	p0 =	sne.s32 s12, $0x7F;
	v6 =	vand.u32 $0x7F, v6;
	v7 =	vand.u32 $0x80, v7;
	v5 =	vadd.s32 v3, v5  }
0x2c: {  	v6 =	vor.u32 v6, v7  }
0x2d: {  	v6 =	vor.u32 v2, v6;
	_ =	sdelay $0x1  }
0x2e: {  	s11 =	sadd.s32 $0x10, s11  }
0x2f: {  	s10 =	sadd.s32 $0x10, s10;
	[tilespmem:v5+s9+$0x0] =	vst.idx.add.s32.msk $0xffff, v4;
	v5 =	vor.u32 s11, v0  }
0x30: {  	[tilespmem:s10+$0x0] =	vst v5  }
0x31: {  	v5 =	vld.idx.msk [tilespmem:v6+s8+$0x0], $0xffff  }
.Ltmp0:
0x32: {  	(pc) =	sbr.rel @p0 .LBB2_1-.Ltmp0, $3  }
0x33: {  	_ =	sdelay $0x1  }
0x34: {  	v7 =	vmov s12;
	v6 =	vor.u32 s12, v1  }
0x35: {  	v7 =	vshll.u32 v7, $0x7;
	s12 =	sadd.s32 $0x1, s12;
	v6 =	vshrl.u32 v6, $0x1  }
0x36: {  	v1 =	vand.u32 $0x7F, v6;
	v6 =	vand.u32 $0x80, v7;
	v5 =	vadd.s32 v3, v5  }
0x37: {  	v1 =	vor.u32 v1, v6  }
0x38: {  	v1 =	vor.u32 v2, v1;
	_ =	sdelay $0x1  }
0x39: {  	s11 =	sadd.s32 $0x10, s11  }
0x3a: {  	s10 =	sadd.s32 $0x10, s10;
	v2 =	vor.u32 s11, v0;
	[tilespmem:v5+s9+$0x0] =	vst.idx.add.s32.msk $0xffff, v4  }
0x3b: {  	[tilespmem:s10+$0x0] =	vst v2  }
0x3c: {  	v1 =	vld.idx.msk [tilespmem:v1+s8+$0x0], $0xffff;
	_ =	sdelay $0x4  }
0x3d: {  	v1 =	vadd.s32 v3, v1;
	_ =	sdelay $0x3  }
0x3e: {  	s24 =	sadd.s32 $0x10, s11  }
0x3f: {  	s25 =	sadd.s32 $0x10, s10;
	v0 =	vor.u32 s24, v0;
	[tilespmem:v1+s9+$0x0] =	vst.idx.add.s32.msk $0xffff, v4  }
0x40: {  	[tilespmem:s25+$0x0] =	vst v0  }
0x41: {  	v0 =	vld [tilespmem:$0x1800]  }
0x42: {  	v1 =	vld [tilespmem:$0x1810]  }
0x43: {  	v2 =	vld [tilespmem:$0x1820]  }
0x44: {  	v3 =	vld [tilespmem:$0x1830]  }
0x45: {  	v4 =	vld [tilespmem:$0x1840]  }
0x46: {  	v5 =	vld [tilespmem:$0x1850]  }
0x47: {  	v0 =	vadd.s32 v0, v1;
	v1 =	vld [tilespmem:$0x1860]  }
0x48: {  	v0 =	vadd.s32 v2, v0;
	v2 =	vld [tilespmem:$0x1870]  }
0x49: {  	v0 =	vadd.s32 v3, v0;
	v3 =	vld [tilespmem:$0x1880]  }
0x4a: {  	v0 =	vadd.s32 v4, v0;
	v4 =	vld [tilespmem:$0x1890]  }
0x4b: {  	v0 =	vadd.s32 v5, v0;
	v5 =	vld [tilespmem:$0x18A0]  }
0x4c: {  	v0 =	vadd.s32 v1, v0;
	v1 =	vld [tilespmem:$0x18B0]  }
0x4d: {  	v0 =	vadd.s32 v2, v0;
	v2 =	vld [tilespmem:$0x18C0]  }
0x4e: {  	v0 =	vadd.s32 v3, v0;
	v3 =	vld [tilespmem:$0x18D0]  }
0x4f: {  	v0 =	vadd.s32 v4, v0;
	v4 =	vld [tilespmem:$0x18E0]  }
0x50: {  	v0 =	vadd.s32 v5, v0;
	v5 =	vld [tilespmem:$0x18F0]  }
0x51: {  	v0 =	vadd.s32 v1, v0  }
0x52: {  	v0 =	vadd.s32 v2, v0  }
0x53: {  	v0 =	vadd.s32 v3, v0  }
0x54: {  	v0 =	vadd.s32 v4, v0  }
0x55: {  	s26 =	sshll.u32 s2, $0x4;
	v0 =	vadd.s32 v5, v0  }
0x56: {  	s28 =	simm.s32 $0x1A00;
	s29 =	simm.s32 $0x2;
	s8 =	sadd.s32 s26, s7;
	[tilespmem:$0x1A00] =	vst v0  }
0x57: {  	[spmem:s8] =	stream.linear.scatter [tilespmem:s28], [sflag:$0x2], $0x10, $0x38;
	[tilespmem:$0x2310] =	vst v63  }
0x58: {  	_ =	swait.ge [sflag:s29], $0x10  }
0x59: {  	[sflag:s29] =	ssyncset.done $0x0  }
0x5a: {  	[sflag:s29] =	ssyncadd.s32 $0xFFFFFFF0  }
0x5b: {  	s30 =	simm.s32 $0x1900;
	[bflag:$0x0] =	sbarrier.arrive $0xFFFF  }
0x5c: {  	[tilespmem:s30], [sflag:$0x2] =	stream.linear.gather [spmem:s7], $0x100, $0x38;
	[tilespmem:$0x2310] =	vst v63  }
0x5d: {  	_ =	swait.ge [sflag:s29], $0x100  }
0x5e: {  	[sflag:s29] =	ssyncset.done $0x0  }
0x5f: {  	[sflag:s29] =	ssyncadd.s32 $0xFFFFFF00  }
0x60: {  	v0 =	vld [tilespmem:$0x1900]  }
0x61: {  	v1 =	vld [tilespmem:$0x1910]  }
0x62: {  	v2 =	vld [tilespmem:$0x1920]  }
0x63: {  	v3 =	vld [tilespmem:$0x1930]  }
0x64: {  	v4 =	vld [tilespmem:$0x1940]  }
0x65: {  	v5 =	vld [tilespmem:$0x1950]  }
0x66: {  	v6 =	vld [tilespmem:$0x1960];
	v1 =	vadd.s32 v0, v1  }
0x67: {  	v7 =	vld [tilespmem:$0x1970];
	v2 =	vadd.s32 v2, v1  }
0x68: {  	v8 =	vld [tilespmem:$0x1980];
	v3 =	vadd.s32 v3, v2  }
0x69: {  	v9 =	vld [tilespmem:$0x1990];
	v4 =	vadd.s32 v4, v3  }
0x6a: {  	v10 =	vld [tilespmem:$0x19A0];
	v5 =	vadd.s32 v5, v4  }
0x6b: {  	v11 =	vld [tilespmem:$0x19B0];
	v6 =	vadd.s32 v6, v5  }
0x6c: {  	v12 =	vmov s2;
	v13 =	vld [tilespmem:$0x19C0];
	v7 =	vadd.s32 v7, v6  }
0x6d: {  	vm0 =	veq.s32 v12, $0x1;
	v14 =	vld [tilespmem:$0x19D0];
	v8 =	vadd.s32 v8, v7  }
0x6e: {  	vm1 =	veq.s32 v12, $0x2;
	v15 =	vld [tilespmem:$0x19E0];
	v0 =	vnsel vm0, $0x0, v0;
	v9 =	vadd.s32 v9, v8  }
0x6f: {  	vm15 =	veq.s32 v12, $0x3;
	v0 =	vsel vm1, v1, v0;
	v1 =	vadd.s32 v10, v9;
	v10 =	vld [tilespmem:$0x19F0]  }
0x70: {  	vm4 =	veq.s32 v12, $0x4;
	v0 =	vsel vm15, v2, v0;
	v2 =	vadd.s32 v11, v1  }
0x71: {  	vm5 =	veq.s32 v12, $0x5;
	v0 =	vsel vm4, v3, v0;
	v3 =	vadd.s32 v13, v2  }
0x72: {  	vm6 =	veq.s32 v12, $0x6;
	v0 =	vsel vm5, v4, v0;
	v4 =	vadd.s32 v14, v3  }
0x73: {  	vm7 =	veq.s32 v12, $0x7;
	v0 =	vsel vm6, v5, v0;
	v5 =	vadd.s32 v15, v4  }
0x74: {  	vm8 =	veq.s32 v12, $0x8;
	v6 =	vsel vm7, v6, v0;
	v0 =	vadd.s32 v10, v5  }
0x75: {  	vm9 =	veq.s32 v12, $0x9;
	v6 =	vsel vm8, v7, v6;
	(xrf0) =	vadd.scan.msk.s32 $0xffff, v0  }
0x76: {  	vm10 =	veq.s32 v12, $0xA;
	v6 =	vsel vm9, v8, v6  }
0x77: {  	vm11 =	veq.s32 v12, $0xB;
	v6 =	vsel vm10, v9, v6  }
0x78: {  	vm12 =	veq.s32 v12, $0xC;
	v1 =	vsel vm11, v1, v6  }
0x79: {  	vm13 =	veq.s32 v12, $0xD;
	v1 =	vsel vm12, v2, v1;
	v2 =	vld [tilespmem:$0x1800]  }
0x7a: {  	vm14 =	veq.s32 v12, $0xE;
	v1 =	vsel vm13, v3, v1;
	v3 =	vld [tilespmem:$0x1810]  }
0x7b: {  	vm15 =	veq.s32 v12, $0xF;
	v6 =	vld [tilespmem:$0x1820];
	v1 =	vsel vm14, v4, v1;
	v4, _, _ =	vpop (xrf0)  }
0x7c: {  	v1 =	vsel vm15, v5, v1;
	v5 =	vld [tilespmem:$0x1830];
	v4 =	vsub.s32 v4, v0  }
0x7d: {  	v1 =	vadd.s32 v1, v4;
	v4 =	vld [tilespmem:$0x1840]  }
0x7e: {  	v7 =	vld [tilespmem:$0x1850];
	v2 =	vadd.s32 v2, v1  }
0x7f: {  	v8 =	vld [tilespmem:$0x1860];
	v3 =	vadd.s32 v3, v2  }
0x80: {  	[tilespmem:$0x1800] =	vst v1;
	v1 =	vadd.s32 v6, v3;
	v6 =	vld [tilespmem:$0x1870]  }
0x81: {  	[tilespmem:$0x1810] =	vst v2;
	v2 =	vadd.s32 v5, v1  }
0x82: {  	[tilespmem:$0x1820] =	vst v3;
	v3 =	vadd.s32 v4, v2  }
0x83: {  	v5 =	vld [tilespmem:$0x1880];
	[tilespmem:$0x1830] =	vst v1;
	v7 =	vadd.s32 v3, v7  }
0x84: {  	s7 =	simm.s32 $0x0;
	v4 =	vld [tilespmem:$0x1890];
	[tilespmem:$0x1840] =	vst v2;
	v2 =	vadd.s32 v7, v8;
	v8 =	vlaneseq.u32  }
0x85: {  	v10 =	vmov s7;
	[tilespmem:$0x1850] =	vst v3;
	v3 =	vadd.s32 v2, v6;
	v6 =	vld [tilespmem:$0x18A0];
	v1 =	vmul.u32 $0x80, v8  }
0x86: {  	v10 =	vshll.u32 v10, $0x7;
	[tilespmem:$0x1860] =	vst v7;
	v7 =	vld [tilespmem:$0x18B0]  }
0x87: {  	v9 =	vld [tilespmem:$0x18C0];
	v10 =	vand.u32 $0x80, v10;
	[tilespmem:$0x1870] =	vst v2;
	v2 =	vor.u32 s7, v1  }
0x88: {  	v11 =	vld [tilespmem:$0x18D0];
	v5 =	vadd.s32 v3, v5;
	[tilespmem:$0x1880] =	vst v3;
	v3 =	vshrl.u32 v8, $0x1;
	v63 =	vshrl.u32 v2, $0x1  }
0x89: {  	v4 =	vadd.s32 v5, v4;
	[tilespmem:$0x1890] =	vst v5;
	v5 =	vld [tilespmem:$0x18E0];
	v3 =	vmul.u32 $0x100, v3;
	v12 =	vand.u32 $0x7F, v63  }
0x8a: {  	[tilespmem:$0x18A0] =	vst v4;
	v4 =	vadd.s32 v4, v6;
	v6 =	vor.u32 v12, v10  }
0x8b: {  	[tilespmem:$0x18B0] =	vst v4;
	v4 =	vadd.s32 v4, v7;
	v6 =	vor.u32 v3, v6  }
0x8c: {  	[tilespmem:$0x18C0] =	vst v4;
	v4 =	vadd.s32 v4, v9  }
0x8d: {  	[tilespmem:$0x18D0] =	vst v4;
	v4 =	vadd.s32 v4, v11  }
0x8e: {  	[tilespmem:$0x18E0] =	vst v4;
	v4 =	vadd.s32 v4, v5  }
0x8f: {  	[tilespmem:$0x18F0] =	vst v4  }
0x90: {  	v6 =	vld.idx.msk [tilespmem:v6+s7+$0x0], $0xffff;
	_ =	sdelay $0x2  }
0x91: {  	v5 =	vmul.u32 $0x10, v8;
	_ =	sdelay $0x1  }
0x92: {  	v7 =	vadd.s32 v5, v6;
	_ =	sdelay $0x1  }
0x93: {  	s31 =	simm.s32 $0x1  }
0x94: {  	s10 =	simm.s32 $0x2;
	s9 =	simm.s32 $0x1000;
	s8 =	simm.s32 $0x1800;
	v8 =	vmov s31;
	v4 =	vimm.s32 $0x1;
	v6 =	vor.u32 s31, v1  }
.LBB2_3:
0x95: {  	p0 =	sne.s32 s10, $0x7F;
	v9 =	vshrl.u32 v6, $0x1;
	v8 =	vshll.u32 v8, $0x7  }
0x96: {  	v9 =	vand.u32 $0x7F, v9;
	v8 =	vand.u32 $0x80, v8;
	v10 =	vld.idx.msk [tilespmem:v7+s8+$0x0], $0xffff  }
0x97: {  	v8 =	vor.u32 v9, v8  }
0x98: {  	v8 =	vor.u32 v3, v8;
	_ =	sdelay $0x2  }
0x99: {  	[tilespmem:v7+s8+$0x0] =	vst.idx.add.s32.msk $0xffff, v4  }
0x9a: {  	[tilespmem:v2+s9+$0x0] =	vst.idx.msk $0xffff, v10;
	v2 =	vmov v6  }
0x9b: {  	v6 =	vld.idx.msk [tilespmem:v8+s7+$0x0], $0xffff;
	_ =	sdelay $0x4  }
.Ltmp1:
0x9c: {  	(pc) =	sbr.rel @p0 .LBB2_3-.Ltmp1, $2  }
0x9d: {  	v7 =	vadd.s32 v5, v6;
	_ =	sdelay $0x2  }
0x9e: {  	v8 =	vmov s10;
	v6 =	vor.u32 s10, v1;
	s10 =	sadd.s32 $0x1, s10  }
0x9f: {  	_ =	sdelay $0x1  }
0xa0: {  	v1 =	vshrl.u32 v6, $0x1;
	v8 =	vshll.u32 v8, $0x7  }
0xa1: {  	v1 =	vand.u32 $0x7F, v1;
	v8 =	vand.u32 $0x80, v8  }
0xa2: {  	v9 =	vld.idx.msk [tilespmem:v7+s8+$0x0], $0xffff;
	v1 =	vor.u32 v1, v8  }
0xa3: {  	v1 =	vor.u32 v3, v1;
	_ =	sdelay $0x2  }
0xa4: {  	[tilespmem:v7+s8+$0x0] =	vst.idx.add.s32.msk $0xffff, v4  }
0xa5: {  	[tilespmem:v2+s9+$0x0] =	vst.idx.msk $0xffff, v9  }
0xa6: {  	v1 =	vld.idx.msk [tilespmem:v1+s7+$0x0], $0xffff;
	_ =	sdelay $0x4  }
0xa7: {  	v1 =	vadd.s32 v5, v1;
	_ =	sdelay $0x4  }
0xa8: {  	v2 =	vld.idx.msk [tilespmem:v1+s8+$0x0], $0xffff;
	_ =	sdelay $0x3  }
0xa9: {  	[tilespmem:v1+s8+$0x0] =	vst.idx.add.s32.msk $0xffff, v4  }
0xaa: {  	s17 =	simm.s32 $0x1000;
	s18 =	simm.s32 $0x800;
	s7 =	simm.s32 $0x80;
	[tilespmem:v6+s9+$0x0] =	vst.idx.msk $0xffff, v2  }
0xab: {  	[spmem:s4] =	stream.indirect.scatter [tilespmem:s18], [sflag:$0x1], $0x1, s17, s7, $0xb8;
	[tilespmem:$0x2310] =	vst v63  }
0xac: {  	s19 =	simm.s32 $0x1080;
	s20 =	simm.s32 $0x880  }
0xad: {  	[spmem:s4] =	stream.indirect.scatter [tilespmem:s20], [sflag:$0x1], $0x1, s19, s7, $0xb8;
	[tilespmem:$0x2310] =	vst v63  }
0xae: {  	s21 =	simm.s32 $0x1100;
	s22 =	simm.s32 $0x900  }
0xaf: {  	[spmem:s4] =	stream.indirect.scatter [tilespmem:s22], [sflag:$0x1], $0x1, s21, s7, $0xb8;
	[tilespmem:$0x2310] =	vst v63  }
0xb0: {  	s23 =	simm.s32 $0x1180;
	s24 =	simm.s32 $0x980  }
0xb1: {  	[spmem:s4] =	stream.indirect.scatter [tilespmem:s24], [sflag:$0x1], $0x1, s23, s7, $0xb8;
	[tilespmem:$0x2310] =	vst v63  }
0xb2: {  	s25 =	simm.s32 $0x1200;
	s26 =	simm.s32 $0xA00  }
0xb3: {  	[spmem:s4] =	stream.indirect.scatter [tilespmem:s26], [sflag:$0x1], $0x1, s25, s7, $0xb8;
	[tilespmem:$0x2310] =	vst v63  }
0xb4: {  	s28 =	simm.s32 $0x1280;
	s29 =	simm.s32 $0xA80  }
0xb5: {  	[spmem:s4] =	stream.indirect.scatter [tilespmem:s29], [sflag:$0x1], $0x1, s28, s7, $0xb8;
	[tilespmem:$0x2310] =	vst v63  }
0xb6: {  	s30 =	simm.s32 $0x1300;
	s31 =	simm.s32 $0xB00  }
0xb7: {  	[spmem:s4] =	stream.indirect.scatter [tilespmem:s31], [sflag:$0x1], $0x1, s30, s7, $0xb8;
	[tilespmem:$0x2310] =	vst v63  }
0xb8: {  	s10 =	simm.s32 $0xB80;
	s9 =	simm.s32 $0x1380  }
0xb9: {  	[spmem:s4] =	stream.indirect.scatter [tilespmem:s10], [sflag:$0x1], $0x1, s9, s7, $0xb8;
	[tilespmem:$0x2310] =	vst v63  }
0xba: {  	s11 =	simm.s32 $0x1400;
	s12 =	simm.s32 $0xC00  }
0xbb: {  	[spmem:s4] =	stream.indirect.scatter [tilespmem:s12], [sflag:$0x1], $0x1, s11, s7, $0xb8;
	[tilespmem:$0x2310] =	vst v63  }
0xbc: {  	s13 =	simm.s32 $0x1480;
	s14 =	simm.s32 $0xC80  }
0xbd: {  	[spmem:s4] =	stream.indirect.scatter [tilespmem:s14], [sflag:$0x1], $0x1, s13, s7, $0xb8;
	[tilespmem:$0x2310] =	vst v63  }
0xbe: {  	s15 =	simm.s32 $0x1500;
	s16 =	simm.s32 $0xD00  }
0xbf: {  	[spmem:s4] =	stream.indirect.scatter [tilespmem:s16], [sflag:$0x1], $0x1, s15, s7, $0xb8;
	[tilespmem:$0x2310] =	vst v63  }
0xc0: {  	s17 =	simm.s32 $0x1580;
	s18 =	simm.s32 $0xD80  }
0xc1: {  	[spmem:s4] =	stream.indirect.scatter [tilespmem:s18], [sflag:$0x1], $0x1, s17, s7, $0xb8;
	[tilespmem:$0x2310] =	vst v63  }
0xc2: {  	s19 =	simm.s32 $0x1600;
	s20 =	simm.s32 $0xE00  }
0xc3: {  	[spmem:s4] =	stream.indirect.scatter [tilespmem:s20], [sflag:$0x1], $0x1, s19, s7, $0xb8;
	[tilespmem:$0x2310] =	vst v63  }
0xc4: {  	s21 =	simm.s32 $0x1680;
	s22 =	simm.s32 $0xE80  }
0xc5: {  	[spmem:s4] =	stream.indirect.scatter [tilespmem:s22], [sflag:$0x1], $0x1, s21, s7, $0xb8;
	[tilespmem:$0x2310] =	vst v63  }
0xc6: {  	s23 =	simm.s32 $0x1700;
	s24 =	simm.s32 $0xF00  }
0xc7: {  	[spmem:s4] =	stream.indirect.scatter [tilespmem:s24], [sflag:$0x1], $0x1, s23, s7, $0xb8;
	[tilespmem:$0x2310] =	vst v63  }
0xc8: {  	s25 =	simm.s32 $0x1780;
	s26 =	simm.s32 $0xF80;
	s28 =	simm.s32 $0x1  }
0xc9: {  	[spmem:s4] =	stream.indirect.scatter [tilespmem:s26], [sflag:$0x1], $0x1, s25, s7, $0xb8;
	[tilespmem:$0x2310] =	vst v63  }
0xca: {  	_ =	swait.ge [sflag:s28], $0x80  }
0xcb: {  	[sflag:s28] =	ssyncset.done $0x0  }
0xcc: {  	[sflag:s28] =	ssyncadd.s32 $0xFFFFFF80  }
0xcd: {  	_ =	swait.ge [sflag:s28], $0x80  }
0xce: {  	[sflag:s28] =	ssyncset.done $0x0  }
0xcf: {  	[sflag:s28] =	ssyncadd.s32 $0xFFFFFF80  }
0xd0: {  	_ =	swait.ge [sflag:s28], $0x80  }
0xd1: {  	[sflag:s28] =	ssyncset.done $0x0  }
0xd2: {  	[sflag:s28] =	ssyncadd.s32 $0xFFFFFF80  }
0xd3: {  	_ =	swait.ge [sflag:s28], $0x80  }
0xd4: {  	[sflag:s28] =	ssyncset.done $0x0  }
0xd5: {  	[sflag:s28] =	ssyncadd.s32 $0xFFFFFF80  }
0xd6: {  	_ =	swait.ge [sflag:s28], $0x80  }
0xd7: {  	[sflag:s28] =	ssyncset.done $0x0  }
0xd8: {  	[sflag:s28] =	ssyncadd.s32 $0xFFFFFF80  }
0xd9: {  	_ =	swait.ge [sflag:s28], $0x80  }
0xda: {  	[sflag:s28] =	ssyncset.done $0x0  }
0xdb: {  	[sflag:s28] =	ssyncadd.s32 $0xFFFFFF80  }
0xdc: {  	_ =	swait.ge [sflag:s28], $0x80  }
0xdd: {  	[sflag:s28] =	ssyncset.done $0x0  }
0xde: {  	[sflag:s28] =	ssyncadd.s32 $0xFFFFFF80  }
0xdf: {  	_ =	swait.ge [sflag:s28], $0x80  }
0xe0: {  	[sflag:s28] =	ssyncset.done $0x0  }
0xe1: {  	[sflag:s28] =	ssyncadd.s32 $0xFFFFFF80  }
0xe2: {  	_ =	swait.ge [sflag:s28], $0x80  }
0xe3: {  	[sflag:s28] =	ssyncset.done $0x0  }
0xe4: {  	[sflag:s28] =	ssyncadd.s32 $0xFFFFFF80  }
0xe5: {  	_ =	swait.ge [sflag:s28], $0x80  }
0xe6: {  	[sflag:s28] =	ssyncset.done $0x0  }
0xe7: {  	[sflag:s28] =	ssyncadd.s32 $0xFFFFFF80  }
0xe8: {  	_ =	swait.ge [sflag:s28], $0x80  }
0xe9: {  	[sflag:s28] =	ssyncset.done $0x0  }
0xea: {  	[sflag:s28] =	ssyncadd.s32 $0xFFFFFF80  }
0xeb: {  	_ =	swait.ge [sflag:s28], $0x80  }
0xec: {  	[sflag:s28] =	ssyncset.done $0x0  }
0xed: {  	[sflag:s28] =	ssyncadd.s32 $0xFFFFFF80  }
0xee: {  	_ =	swait.ge [sflag:s28], $0x80  }
0xef: {  	[sflag:s28] =	ssyncset.done $0x0  }
0xf0: {  	[sflag:s28] =	ssyncadd.s32 $0xFFFFFF80  }
0xf1: {  	_ =	swait.ge [sflag:s28], $0x80  }
0xf2: {  	[sflag:s28] =	ssyncset.done $0x0  }
0xf3: {  	[sflag:s28] =	ssyncadd.s32 $0xFFFFFF80  }
0xf4: {  	_ =	swait.ge [sflag:s28], $0x80  }
0xf5: {  	[sflag:s28] =	ssyncset.done $0x0  }
0xf6: {  	[sflag:s28] =	ssyncadd.s32 $0xFFFFFF80  }
0xf7: {  	_ =	swait.ge [sflag:s28], $0x80  }
0xf8: {  	s3 =	sadd.s32 s3, s5;
	s29 =	sadd.s32 s6, s4;
	[sflag:s28] =	ssyncset.done $0x0  }
0xf9: {  	s30 =	sshll.u32 s2, $0x6;
	s31 =	simm.s32 $0x2;
	[sflag:s28] =	ssyncadd.s32 $0xFFFFFF80  }
0xfa: {  	s5 =	sor.u32 $0x1C02, s30;
	s4 =	sshrl.u32 s29, $0x3;
	[bflag:$0x0] =	sbarrier.arrive $0xFFFF  }
0xfb: {  	[hbm:s3], [sflag:s5] =	dma.local [spmem:s4], $0x100  }
0xfc: {  	_ =	swait.ge [sflag:s31], $0x100  }
0xfd: {  	[sflag:s31] =	ssyncset.done $0x0  }
0xfe: {  	p0 =	sne.s32 s2, $0x0;
	[sflag:s31] =	ssyncadd.s32 $0xFFFFFF00  }
0xff: {  	_ =	sfence.sel @p0 $0x180000  }
0x100: {  	[bflag:$0x0] =	sbarrier.arrive @p0 $0xFFFF  }
0x101: {  	v0 =	vcvt.s32.f32 @!p0 v0;
	_ =	strace @p0 $0x90000047  }
0x102: {  	[bflag:$0x2] =	sbarrier.arrive @p0 $0xFFFF  }
0x103: {  	s2 =	simm.s32 @!p0 $0x0;
	s3 =	simm.s32 @!p0 $0x1A80;
	[tilespmem:$0x1A80] =	vst @!p0 v0  }
0x104: {  	[hbm4b:s1+s2] =	stream.linear.scatter @!p0 [tilespmem:s3], [sflag:$0x2], $0x80, $0x38;
	[tilespmem:$0x2310] =	vst v63  }
0x105: {  	s1 =	simm.s32 @!p0 $0x2  }
0x106: {  	_ =	swait.ge @!p0 [sflag:s1], $0x80  }
0x107: {  	[sflag:s1] =	ssyncset.done @!p0 $0x0  }
0x108: {  	[sflag:s1] =	ssyncadd.s32 @!p0 $0xFFFFFF80  }
0x109: {  	_ =	sfence.sel @!p0 $0x180000  }
0x10a: {  	[bflag:$0x0] =	sbarrier.arrive @!p0 $0xFFFF  }
0x10b: {  	_ =	strace @!p0 $0x90000047  }
0x10c: {  	s0 =	sadd.s32 @!p0 $0x100000, s0;
	[bflag:$0x2] =	sbarrier.arrive @!p0 $0xFFFF  }
0x10d: {  	[sflag:s0] =	ssyncadd.tile.s32 @!p0 $0x1;
	_ =	shalt  }
.Lfunc_end2:
_tile_overlayer_lowered:
.L_overlay_start_2:
0x10e: {  	(tag) =	ssettag $0x2  }
0x10f: {  	s0 =	rddreg [dreg:$0x0];
	s2 =	stileid.u32  }
0x110: {  	s1 =	rddreg [dreg:$0x1];
	p0 =	sne.s32 s2, $0x0  }
0x111: {  	s3 =	rddreg [dreg:$0x2];
	[bflag:$0x3] =	sbarrier.arrive $0xFFFF;
	s2 =	simm.s32 @!p0 $0x1C02  }
0x112: {  	[timem:s3], [sflag:s2] =	dma.local @!p0 [hbm:s0], s1  }
0x113: {  	s0 =	simm.s32 @!p0 $0x2  }
0x114: {  	_ =	swait.ge @!p0 [sflag:s0], s1  }
0x115: {  	s1 =	ssub.s32 @!p0 $0x0, s1;
	[sflag:s0] =	ssyncset.done @!p0 $0x0  }
0x116: {  	[sflag:s0] =	ssyncadd.s32 @!p0 s1  }
0x117: {  	[bflag:$0x3] =	sbarrier.arrive $0xFFFF  }
0x118: {  	_ =	shalt  }

// kernel: kernel.7.cloned.1.call-start
scs
__scs_entry_jumppad:
0x0: {  	(pc) =	sbr.rel $0x88, $3  }
0x1: {  	(tag) =	ssettag $0x0;
	lr =	simm.s32 $0x1  }
0x2: {  	[smem:$0x3F9F] =	sst lr;
	_ =	strace $0xD0000000  }
0x3: {  	_ = 	snop  }
0x4: {  	_ = 	snop  }
0x5: {  	_ = 	snop  }
0x6: {  	_ = 	snop  }
0x7: {  	_ = 	snop  }
__scs_overlays_trampoline_lowered:
0x8: {  	[smem:$0x3FAE] =	sst s0  }
0x9: {  	[smem:$0x3FAF] =	sst s1  }
0xa: {  	[smem:$0x3FB0] =	sst s2  }
0xb: {  	[smem:$0x3FB1] =	sst s3  }
0xc: {  	[smem:$0x3FB2] =	sst s4  }
0xd: {  	[smem:$0x3FB3] =	sst s5  }
0xe: {  	[smem:$0x3FB4] =	sst s6  }
0xf: {  	[smem:$0x3FB5] =	sst s7  }
0x10: {  	[smem:$0x3FB6] =	sst s8  }
0x11: {  	[smem:$0x3FB7] =	sst s9;
	s0 =	simm.s32 @!p0 $0x0  }
0x12: {  	s1 =	sld [smem:$0x3F9D];
	s0 =	simm.s32 @p0 $0x1  }
0x13: {  	[smem:$0x3FB8] =	sst s0;
	s0 =	simm.s32 @!p1 $0x0  }
0x14: {  	s2 =	sld [smem:$0x3F9C];
	s0 =	simm.s32 @p1 $0x1  }
0x15: {  	[smem:$0x3FB9] =	sst s0;
	s0 =	simm.s32 @!p2 $0x0  }
0x16: {  	s3 =	sld [smem:$0x3FDB];
	s0 =	simm.s32 @p2 $0x1  }
0x17: {  	s4 =	simm.s32 $0x1BF5;
	[smem:$0x3FBB] =	sst s0  }
0x18: {  	s0 =	sld [smem:$0x3F9E];
	_ =	swait.ge [sflag:s4], $0x0  }
0x19: {  	s7 =	sld [smem:$0x3F9F]  }
0x1a: {  	s8 =	sadd.s32 $0xFFFFE003, lr  }
0x1b: {  	s9 =	sadd.s32 $0xFFFFFEF7, lr;
	s5 =	simm.s32 $0xFFFFFFFF;
	p2 =	slt.u32 s8, $0xFFFFF086  }
0x1c: {  	p1 =	slt.u32 s9, $0xF7A;
	s5 =	simm.s32 @!p2 $0x0  }
0x1d: {  	s5 =	simm.s32 @p1 $0x1;
	p0 =	seq.s32 s7, s2  }
0x1e: {  	s7 =	smul.u32 @!p0 $0xF7A, s2;
	p2 =	seq.s32 @!p0 s5, $0x0  }
0x1f: {  	s9 =	smul.u32 $0xF7A, s1;
	s8 =	simm.s32 @!p0 $0x1BF5;
	p2 =	por !p2, p0  }
0x20: {  	[sflag:s8] =	ssyncset.s32 @!p0 $0xFFFFF086;
	s6 =	sadd.s32 @!p0 s3, s7;
	s7 =	simm.s32 @!p0 $0x108  }
0x21: {  	s3 =	sadd.s32 s3, s9;
	s6 =	sadd.s32 @!p0 $0x88, s6;
	s7 =	simm.s32 @p2 $0x1082  }
0x22: {  	[simem:s7], [sflag:s8] =	dma.local @!p0 [hbm:s6], $0xF7A  }
0x23: {  	s9 =	sor.u32 $0xD0000000, s2;
	s6 =	simm.s32 $0x108;
	_ =	swait.ge @!p0 [sflag:s8], $0x0  }
0x24: {  	s3 =	sadd.s32 $0x88, s3;
	s6 =	simm.s32 @!p1 $0x1082;
	[sflag:s4] =	ssyncset.s32 $0xFFFFF086  }
0x25: {  	[simem:s6], [sflag:s4] =	dma.local [hbm:s3], $0xF7A  }
0x26: {  	[smem:$0x3F9F] =	sst s1;
	(tag) =	ssettag s2;
	_ =	strace s9  }
0x27: {  	s1 =	sld [smem:$0x3FAF]  }
0x28: {  	s2 =	sld [smem:$0x3FB0]  }
0x29: {  	s4 =	sld [smem:$0x3FB2]  }
0x2a: {  	p0 =	seq.s32 s5, $0x0;
	s5 =	sld [smem:$0x3FB3]  }
0x2b: {  	s6 =	sld [smem:$0x3FB4]  }
0x2c: {  	s7 =	sld [smem:$0x3FB5]  }
0x2d: {  	s3 =	simm.s32 $0x108;
	s8 =	sld [smem:$0x3FB6]  }
0x2e: {  	s3 =	simm.s32 @!p0 $0x1082;
	s9 =	sld [smem:$0x3FB7]  }
0x2f: {  	lr =	sadd.s32 s0, s3;
	s0 =	sld [smem:$0x3FAE]  }
0x30: {  	s3 =	sld [smem:$0x3FB1]  }
0x31: {  	[smem:$0x3FBA] =	sst s10  }
0x32: {  	s10 =	sld [smem:$0x3FB8];
	_ =	sdelay $0x3  }
0x33: {  	p0 =	seq.s32 s10, $0x1;
	s10 =	sld [smem:$0x3FBA];
	_ =	sdelay $0x3  }
0x34: {  	[smem:$0x3FBA] =	sst s10  }
0x35: {  	s10 =	sld [smem:$0x3FB9];
	_ =	sdelay $0x3  }
0x36: {  	p1 =	seq.s32 s10, $0x1;
	s10 =	sld [smem:$0x3FBA];
	_ =	sdelay $0x3  }
0x37: {  	[smem:$0x3FBA] =	sst s10  }
0x38: {  	s10 =	sld [smem:$0x3FBB]  }
0x39: {  	_ = 	snop;
	(pc) =	sbr.ind lr, $3  }
0x3a: {  	_ = 	snop  }
0x3b: {  	_ = 	snop  }
0x3c: {  	p2 =	seq.s32 s10, $0x1;
	s10 =	sld [smem:$0x3FBA]  }
0x3d: {  	_ =	shalt  }
0x3e: {  	_ =	shalt  }
0x3f: {  	_ =	shalt  }
0x40: {  	_ =	shalt  }
0x41: {  	_ =	shalt  }
0x42: {  	_ =	shalt  }
0x43: {  	_ =	shalt  }
0x44: {  	_ =	shalt  }
0x45: {  	_ =	shalt  }
0x46: {  	_ =	shalt  }
0x47: {  	_ =	shalt  }
0x48: {  	_ =	shalt  }
0x49: {  	_ =	shalt  }
0x4a: {  	_ =	shalt  }
0x4b: {  	_ =	shalt  }
0x4c: {  	_ =	shalt  }
0x4d: {  	_ =	shalt  }
0x4e: {  	_ =	shalt  }
0x4f: {  	_ =	shalt  }
0x50: {  	_ =	shalt  }
0x51: {  	_ =	shalt  }
0x52: {  	_ =	shalt  }
0x53: {  	_ =	shalt  }
0x54: {  	_ =	shalt  }
0x55: {  	_ =	shalt  }
0x56: {  	_ =	shalt  }
0x57: {  	_ =	shalt  }
0x58: {  	_ =	shalt  }
0x59: {  	_ =	shalt  }
0x5a: {  	_ =	shalt  }
0x5b: {  	_ =	shalt  }
0x5c: {  	_ =	shalt  }
0x5d: {  	_ =	shalt  }
0x5e: {  	_ =	shalt  }
0x5f: {  	_ =	shalt  }
0x60: {  	_ =	shalt  }
0x61: {  	_ =	shalt  }
0x62: {  	_ =	shalt  }
0x63: {  	_ =	shalt  }
0x64: {  	_ =	shalt  }
0x65: {  	_ =	shalt  }
0x66: {  	_ =	shalt  }
0x67: {  	_ =	shalt  }
0x68: {  	_ =	shalt  }
0x69: {  	_ =	shalt  }
0x6a: {  	_ =	shalt  }
0x6b: {  	_ =	shalt  }
0x6c: {  	_ =	shalt  }
0x6d: {  	_ =	shalt  }
0x6e: {  	_ =	shalt  }
0x6f: {  	_ =	shalt  }
0x70: {  	_ =	shalt  }
0x71: {  	_ =	shalt  }
0x72: {  	_ =	shalt  }
0x73: {  	_ =	shalt  }
0x74: {  	_ =	shalt  }
0x75: {  	_ =	shalt  }
0x76: {  	_ =	shalt  }
0x77: {  	_ =	shalt  }
0x78: {  	_ =	shalt  }
0x79: {  	_ =	shalt  }
0x7a: {  	_ =	shalt  }
0x7b: {  	_ =	shalt  }
0x7c: {  	_ =	shalt  }
0x7d: {  	_ =	shalt  }
0x7e: {  	_ =	shalt  }
0x7f: {  	_ =	shalt  }
0x80: {  	_ =	shalt  }
0x81: {  	_ =	shalt  }
0x82: {  	_ =	shalt  }
0x83: {  	_ =	shalt  }
0x84: {  	_ =	shalt  }
0x85: {  	_ =	shalt  }
0x86: {  	_ =	shalt  }
0x87: {  	_ =	shalt  }
.Lfunc_end0:
.L_simem_size_0:
called_computation.1_lowered:
.L_overlay_start_0:
0x88: {  	s0 =	sld [smem:$0x3FD9]  }
0x89: {  	s1 =	sld [smem:$0x3FFE];
	_ =	sdelay $0x3  }
0x8a: {  	s0 =	sadd.s32 s1, s0  }
0x8b: {  	[smem:$0x3FC6] =	sst s0  }
0x8c: {  	_ = 	snop  }
0x8d: {  	s0 =	sld [smem:$0x3FD0];
	_ =	sdelay $0x2  }
0x8e: {  	s13 =	simm.s32 $0xA;
	s2 =	simm.s32 $0x10  }
0x8f: {  	[smem:s2], [sflag:s13] =	dma.local [hbm:s0], $0x1  }
0x90: {  	_ =	swait.eq [sflag:s13], $0x1  }
0x91: {  	[sflag:s13] =	ssyncset.done $0x0  }
0x92: {  	s14 =	sld [smem:$0x10];
	[sflag:s13] =	ssyncadd.s32 $0xFFFFFFFF  }
0x93: {  	s15 =	sld [smem:$0x11];
	(tm) =	ssettm $0x1  }
0x94: {  	s16 =	sld [smem:$0x3FFB];
	_ =	sdelay $0x3  }
0x95: {  	_ =	strace s16  }
0x96: {  	s2 =	sld [smem:$0x3FFC];
	_ =	sdelay $0x3  }
0x97: {  	_ =	strace s2  }
0x98: {  	s2 =	sld [smem:$0x3FFD];
	_ =	sdelay $0x3  }
0x99: {  	_ =	strace s2  }
0x9a: {  	_ =	strace $0x8FFFFFFF  }
0x9b: {  	s17 =	sld [smem:$0x3FDB];
	_ =	sdelay $0x1  }
0x9c: {  	s3 =	simm.s32 $_scs_section_size  }
0x9d: {  	s4 =	simm.s32 $_size__tile_overlayer_lowered;
	s5 =	simm.s32 $_tile_overlayer_lowered  }
0x9e: {  	s20 =	simm.s32 $0x1BFF;
	s19 =	sshll.u32 s5, $0x1;
	s2 =	sadd.s32 s3, s17  }
0x9f: {  	s6 =	simm.s32 $0x0;
	s18 =	sshll.u32 s4, $0x1;
	s4 =	sadd.s32 s19, s2  }
0xa0: {  	[timem:s6], [sflag:s20] =	dma.local [hbm:s4], s18  }
0xa1: {  	_ =	swait.ge [sflag:s20], s18  }
0xa2: {  	s3 =	ssub.s32 $0x0, s18;
	[sflag:s20] =	ssyncset.done $0x0  }
0xa3: {  	[sflag:s20] =	ssyncadd.s32 s3;
	_ =	sdelay $0x1  }
0xa4: {  	s21 =	simm.s32 $0x1B8B  }
0xa5: {  	_ =	swait.ge [sflag:s21], $0x1  }
0xa6: {  	[sflag:s21] =	ssyncset.done $0x0  }
0xa7: {  	s23 =	simm.s32 $0x1B8E;
	s22 =	sld [smem:$0x3FFE];
	[sflag:s21] =	ssyncadd.s32 $0xFFFFFFFF  }
0xa8: {  	s24 =	simm.s32 $execute0_lowered;
	[smem:$0x3FD2] =	sst s23  }
0xa9: {  	s4 =	sshll.u32 s24, $0x1;
	_ =	strace $0x80000049;
	[dreg:$0x1] =	wrdreg $0xFFFFFFFF  }
0xaa: {  	s25 =	simm.s32 $_size_execute0_lowered;
	s2 =	sadd.s32 s2, s4;
	[dreg:$0x0] =	wrdreg $0x0  }
0xab: {  	s4 =	sshll.u32 s25, $0x1;
	[dreg:$0x2] =	wrdreg s2  }
0xac: {  	[dreg:$0x3] =	wrdreg s4  }
0xad: {  	[dreg:$0x4] =	wrdreg $0xC0  }
0xae: {  	_ =	task [dreg:s6], $0x5FFFF  }
0xaf: {  	[dreg:$0x1] =	wrdreg $0xFFFFFFFF  }
0xb0: {  	[dreg:$0x0] =	wrdreg $0x60  }
0xb1: {  	[dreg:$0x2] =	wrdreg s22  }
0xb2: {  	[dreg:$0x3] =	wrdreg s15  }
0xb3: {  	[dreg:$0x4] =	wrdreg s14  }
0xb4: {  	[dreg:$0x5] =	wrdreg $0x9  }
0xb5: {  	_ =	task.clear_ibuf [dreg:s6], $0x6FFFF;
	_ =	strace $0x90000049  }
0xb6: {  	s26 =	simm.s32 $0x9;
	_ =	strace $0x8000004B  }
0xb7: {  	_ =	swait.ge [sflag:s26], $0x1  }
0xb8: {  	[sflag:s26] =	ssyncadd.s32 $0xFFFFFFFF  }
0xb9: {  	_ =	strace $0x9000004B  }
0xba: {  	_ =	sfence  }
0xbb: {  	s28 =	sld [smem:$0x0];
	_ =	sdelay $0x1  }
0xbc: {  	s29 =	srdreg.scid  }
0xbd: {  	s30 =	sshll.u32 s29, $0xD;
	s31 =	sshrl.u32 s29, $0x2  }
0xbe: {  	s1 =	sand.u32 $0x1, s29;
	s2 =	sand.u32 $0x4000, s30;
	s0 =	sadd.s32 s31, s28  }
0xbf: {  	s1 =	sor.u32 s2, s1;
	s0 =	sshll.u32 s0, $0x11  }
0xc0: {  	s0 =	sor.u32 s0, s1  }
0xc1: {  	s0 =	sadd.s32 $0x8F2B, s0  }
0xc2: {  	[sflag:s0] =	ssyncadd.remote.s32 $0x1  }
0xc3: {  	_ =	sfence.sel $0xFFFF  }
0xc4: {  	[dreg:$0x0] =	wrdreg $0xFFFFFFFF;
	(pc) =	sbr.abs _section_cstart, $3  }
0xc5: {  	[dreg:$0x1] =	wrdreg $0xFFFFFFFF  }
0xc6: {  	_ =	task.clear_ibuf [dreg:s6], $0x2FFFF;
	_ =	strace $0x9FFFFFFF  }
0xc7: {  	(tm) =	ssettm $0x7FFFFFFF  }
tec
execute0_lowered:
.L_overlay_start_1:
0x0: {  	(tag) =	ssettag $0x1  }
0x1: {  	s1 =	rddreg [dreg:$0x0]  }
0x2: {  	s5 =	rddreg [dreg:$0x1]  }
0x3: {  	s2 =	rddreg [dreg:$0x2]  }
0x4: {  	s0 =	rddreg [dreg:$0x3];
	s3 =	simm.s32 $0x0  }
0x5: {  	[smem:$0x7FF] =	sst s3  }
0x6: {  	s6 =	simm.s32 $0x1;
	s1 =	sadd.s32 $0xC00, s1;
	_ =	strace $0x8000004A  }
0x7: {  	[tilespmem:s3], [sflag:$0x1] =	stream.linear.gather [hbm4b:s1+s3], $0x8000, $0x38;
	[tilespmem:$0x9000] =	vst v63  }
0x8: {  	s1 =	stileid.u32;
	_ =	swait.ge [sflag:s6], $0x8000  }
0x9: {  	s4 =	sshll.u32 s1, $0x8;
	[sflag:s6] =	ssyncset.done $0x0  }
0xa: {  	s7 =	simm.s32 $0x8000;
	s5 =	sadd.s32 s5, s4;
	[sflag:s6] =	ssyncadd.s32 $0xFFFF8000  }
0xb: {  	[tilespmem:s7], [sflag:$0x1] =	stream.linear.gather [hbm4b:s5+s3], $0x800, $0x38;
	[tilespmem:$0x9000] =	vst v63  }
0xc: {  	_ =	swait.ge [sflag:s6], $0x800  }
0xd: {  	[sflag:s6] =	ssyncset.done $0x0  }
0xe: {  	s5 =	simm.s32 $0x0;
	[sflag:s6] =	ssyncadd.s32 $0xFFFFF800  }
0xf: {  	v0 =	vld [tilespmem:s5+$0x8000];
	_ =	sdelay $0x7  }
0x10: {  	s7 =	simm.s32 $0x80;
	s6 =	simm.s32 $0x10;
	v0 =	vld.idx.msk [tilespmem:v0+s3+$0x0], $0xffff  }
.LBB2_1:
0x11: {  	p0 =	sne.s32 s7, $0x1FC0;
	v1 =	vld [tilespmem:s6+$0x8000];
	_ =	sdelay $0x3  }
.Ltmp0:
0x12: {  	(pc) =	sbr.rel @p0 .LBB2_1-.Ltmp0, $2  }
0x13: {  	[tilespmem:s5+$0x8800] =	vst v0;
	s5 =	smov.u32 s6;
	_ =	sdelay $0x2  }
0x14: {  	s6 =	sshra.s32 s7, $0x2;
	s7 =	sadd.s32 $0x40, s7;
	v0 =	vld.idx.msk [tilespmem:v1+s3+$0x0], $0xffff  }
0x15: {  	v1 =	vld [tilespmem:s6+$0x8000];
	_ =	sdelay $0x6  }
0x16: {  	[tilespmem:s5+$0x8800] =	vst v0  }
0x17: {  	v0 =	vld.idx.msk [tilespmem:v1+s3+$0x0], $0xffff;
	_ =	sdelay $0x3  }
0x18: {  	s2 =	sadd.s32 s2, s4  }
0x19: {  	s29 =	simm.s32 $0x0;
	s30 =	simm.s32 $0x8800;
	s31 =	simm.s32 $0x1;
	[tilespmem:s6+$0x8800] =	vst v0  }
0x1a: {  	[hbm4b:s2+s29] =	stream.linear.scatter [tilespmem:s30], [sflag:$0x1], $0x800, $0x38;
	[tilespmem:$0x9000] =	vst v63  }
0x1b: {  	_ =	swait.ge [sflag:s31], $0x800  }
0x1c: {  	[sflag:s31] =	ssyncset.done $0x0  }
0x1d: {  	[sflag:s31] =	ssyncadd.s32 $0xFFFFF800  }
0x1e: {  	_ =	sfence.sel $0x180000  }
0x1f: {  	[bflag:$0x0] =	sbarrier.arrive $0xFFFF  }
0x20: {  	p0 =	sne.s32 s1, $0x0;
	_ =	strace $0x9000004A  }
0x21: {  	s0 =	sadd.s32 @!p0 $0x100000, s0;
	[bflag:$0x2] =	sbarrier.arrive $0xFFFF  }
0x22: {  	[sflag:s0] =	ssyncadd.tile.s32 @!p0 $0x1;
	_ =	shalt  }
.Lfunc_end2:
_tile_overlayer_lowered:
.L_overlay_start_2:
0x23: {  	(tag) =	ssettag $0x2  }
0x24: {  	s0 =	rddreg [dreg:$0x0];
	s2 =	stileid.u32  }
0x25: {  	s1 =	rddreg [dreg:$0x1];
	p0 =	sne.s32 s2, $0x0  }
0x26: {  	s3 =	rddreg [dreg:$0x2];
	[bflag:$0x3] =	sbarrier.arrive $0xFFFF;
	s2 =	simm.s32 @!p0 $0x1C01  }
0x27: {  	[timem:s3], [sflag:s2] =	dma.local @!p0 [hbm:s0], s1  }
0x28: {  	s0 =	simm.s32 @!p0 $0x1  }
0x29: {  	_ =	swait.ge @!p0 [sflag:s0], s1  }
0x2a: {  	s1 =	ssub.s32 @!p0 $0x0, s1;
	[sflag:s0] =	ssyncset.done @!p0 $0x0  }
0x2b: {  	[sflag:s0] =	ssyncadd.s32 @!p0 s1  }
0x2c: {  	[bflag:$0x3] =	sbarrier.arrive $0xFFFF  }
0x2d: {  	_ =	shalt  }

</sc_bundles>
